<compile_context>
chip_gen: v7x
topology: tpu7x:2x2x1
jax: 0.10.2.dev20260603
libtpu: 0.0.44.dev20260713+nightly
codegen_flags: <defaults>
</compile_context>

<pallas_src>
import functools

import jax
import jax.numpy as jnp
from jax import lax
from jax.experimental import pallas as pl
from jax.experimental.pallas import tpu as pltpu
from jax.experimental.pallas import tpu_sc as plsc

_SMOOTHING = 0.1
_NUM_CLASSES = 1000
_CONFIDENCE = 1.0 - _SMOOTHING
_SMOOTH_VAL = _SMOOTHING / (_NUM_CLASSES - 1)

_N = 16384
_K = 1000
_N_SC = 8192
_N_TC = _N - _N_SC
_NW = 32
_COLS_PW = _N_SC // _NW
_CB = 128
_LANES = 16
_TC_COLS = 2048



def _tc_stream_body(x_ref, t_ref, out_ref, *, k, cols):
    i = pl.program_id(0)
    x = x_ref[...]
    m = jnp.max(x, axis=0, keepdims=True)
    e = jnp.exp(x - m)
    lse = jnp.log(jnp.sum(e, axis=0, keepdims=True))
    sum_x = jnp.sum(x, axis=0, keepdims=True)
    sum_logp = sum_x - float(k) * (m + lse)

    t = t_ref[0, 0, :]
    row = jax.lax.broadcasted_iota(jnp.int32, (k, cols), 0)
    p_t = jnp.sum(jnp.where(row == t[None, :], x, 0.0), axis=0, keepdims=True)
    logp_t = p_t - m - lse

    col_loss = -(_SMOOTH_VAL * sum_logp + (_CONFIDENCE - _SMOOTH_VAL) * logp_t)
    partial = jnp.sum(col_loss).reshape(1, 1)

    @pl.when(i == 0)
    def _init():
        out_ref[...] = partial

    @pl.when(i != 0)
    def _acc():
        out_ref[...] += partial


def _tc_partial(pred_t, target):
    t3 = target.reshape(_N // _TC_COLS, 1, _TC_COLS)
    return pl.pallas_call(
        functools.partial(_tc_stream_body, k=_K, cols=_TC_COLS),
        grid=(_N_TC // _TC_COLS,),
        in_specs=[
            pl.BlockSpec((_K, _TC_COLS), lambda i: (0, i)),
            pl.BlockSpec((1, 1, _TC_COLS), lambda i: (i, 0, 0)),
        ],
        out_specs=pl.BlockSpec((1, 1), lambda i: (0, 0)),
        out_shape=jax.ShapeDtypeStruct((1, 1), jnp.float32),
    )(pred_t, t3)



def _sc_cols_body(pred_t_hbm, target_hbm, se_hbm, sx_hbm, pt_hbm,
                  buf, tbuf, out_se, out_sx, out_pt, sem0, sem1):
    wid = lax.axis_index("c") * 16 + lax.axis_index("s")
    base_col = _N_TC + wid * _COLS_PW

    pltpu.sync_copy(target_hbm.at[pl.ds(base_col, _COLS_PW)], tbuf)

    lane = lax.broadcasted_iota(jnp.int32, (_LANES,), 0)
    zeros = jnp.zeros((_LANES,), jnp.float32)
    unroll = 8
    ksplit = 504

    def stage_groups(ci, k_lo, k_hi, first):
        n_it = (k_hi - k_lo) // unroll

        def group_step(g, _):
            c0 = g * _LANES

            def step(kk, c):
                e4, s4 = c
                k0 = k_lo + unroll * kk
                acc_e, acc_s = e4, s4
                for u in range(0, unroll, 4):
                    v0 = buf[k0 + u, pl.ds(c0, _LANES)]
                    v1 = buf[k0 + u + 1, pl.ds(c0, _LANES)]
                    v2 = buf[k0 + u + 2, pl.ds(c0, _LANES)]
                    v3 = buf[k0 + u + 3, pl.ds(c0, _LANES)]
                    acc_e = (acc_e[0] + jnp.exp(v0), acc_e[1] + jnp.exp(v1),
                             acc_e[2] + jnp.exp(v2), acc_e[3] + jnp.exp(v3))
                    acc_s = (acc_s[0] + v0, acc_s[1] + v1,
                             acc_s[2] + v2, acc_s[3] + v3)
                return acc_e, acc_s

            e4, s4 = lax.fori_loop(0, n_it, step,
                                   ((zeros,) * 4, (zeros,) * 4))
            for k in range(k_lo + n_it * unroll, k_hi):
                v = buf[k, pl.ds(c0, _LANES)]
                e4 = (e4[0] + jnp.exp(v), e4[1], e4[2], e4[3])
                s4 = (s4[0] + v, s4[1], s4[2], s4[3])
            se = (e4[0] + e4[1]) + (e4[2] + e4[3])
            sx = (s4[0] + s4[1]) + (s4[2] + s4[3])

            o = ci * _CB + c0
            if first:
                out_se[pl.ds(o, _LANES)] = se
                out_sx[pl.ds(o, _LANES)] = sx
            else:
                out_se[pl.ds(o, _LANES)] += se
                out_sx[pl.ds(o, _LANES)] += sx
                t_vec = tbuf[pl.ds(o, _LANES)]
                opt = zeros
                for r in range(_LANES):
                    vrow = buf[t_vec[r], pl.ds(c0, _LANES)]
                    opt = jnp.where(lane == r, vrow, opt)
                out_pt[pl.ds(o, _LANES)] = opt
            return 0

        lax.fori_loop(0, _CB // _LANES, group_step, 0)

    def chunk_step(ci, _):
        col = base_col + ci * _CB
        cp0 = pltpu.async_copy(
            pred_t_hbm.at[pl.ds(0, ksplit), pl.ds(col, _CB)],
            buf.at[pl.ds(0, ksplit), :], sem0)
        cp1 = pltpu.async_copy(
            pred_t_hbm.at[pl.ds(ksplit, _K - ksplit), pl.ds(col, _CB)],
            buf.at[pl.ds(ksplit, _K - ksplit), :], sem1)
        cp0.wait()
        stage_groups(ci, 0, ksplit, True)
        cp1.wait()
        stage_groups(ci, ksplit, _K, False)
        return 0

    lax.fori_loop(0, _COLS_PW // _CB, chunk_step, 0)

    sl = pl.ds(wid * _COLS_PW, _COLS_PW)
    pltpu.sync_copy(out_se, se_hbm.at[sl])
    pltpu.sync_copy(out_sx, sx_hbm.at[sl])
    pltpu.sync_copy(out_pt, pt_hbm.at[sl])


def _sc_cols(pred_t, target):
    mesh = plsc.VectorSubcoreMesh(core_axis_name="c", subcore_axis_name="s")
    vec = jax.ShapeDtypeStruct((_N_SC,), jnp.float32)
    kern = pl.kernel(
        _sc_cols_body,
        mesh=mesh,
        out_type=[vec, vec, vec],
        scratch_types=[
            pltpu.VMEM((_K, _CB), jnp.float32),
            pltpu.VMEM((_COLS_PW,), jnp.int32),
            pltpu.VMEM((_COLS_PW,), jnp.float32),
            pltpu.VMEM((_COLS_PW,), jnp.float32),
            pltpu.VMEM((_COLS_PW,), jnp.float32),
            pltpu.SemaphoreType.DMA,
            pltpu.SemaphoreType.DMA,
        ],
    )
    return kern(pred_t, target)



def _combine_body(part_ref, se_ref, sx_ref, pt_ref, out_ref):
    lse = jnp.log(se_ref[...])
    total = -(_SMOOTH_VAL * jnp.sum(sx_ref[...])
              + (_CONFIDENCE - _SMOOTH_VAL) * jnp.sum(pt_ref[...])
              - (_SMOOTH_VAL * float(_K) + _CONFIDENCE - _SMOOTH_VAL)
              * jnp.sum(lse))
    out_ref[...] = total.reshape(1, 1) + part_ref[...]


def _combine(tc_part, se, sx, pt):
    shp = (_N_SC // 128, 128)
    return pl.pallas_call(
        _combine_body,
        out_shape=jax.ShapeDtypeStruct((1, 1), jnp.float32),
    )(tc_part, se.reshape(shp), sx.reshape(shp), pt.reshape(shp))


def kernel(pred, target):
    target = target.astype(jnp.int32)
    pred_t = pred.T
    tc_part = _tc_partial(pred_t, target)
    se, sx, pt = _sc_cols(pred_t, target)
    total = _combine(tc_part, se, sx, pt)
    return (total[0, 0] / float(_N)).astype(jnp.float32)

# --- scband reference (transcript-rebuilt; emitter-appended) ---
"""Pipeline reference for scband-label-smoothing-loss-80753975099772 (READ-ONLY COPY).

The authoritative reference and input builder live on the scoring server;
editing this copy changes nothing except your own understanding.
"""

import jax, jax.numpy as jnp
import numpy as np

SMOOTHING = 0.1
NUM_CLASSES = 1000
CONFIDENCE = 1.0 - SMOOTHING


def setup_inputs(seed: int = 0) -> dict:
    key = jax.random.key(seed)
    k1, k2 = jax.random.split(key)
    pred = jax.random.normal(k1, (16384, 1000), dtype=jnp.float32)
    target = jax.random.randint(k2, (16384,), 0, 1000, dtype=jnp.int64 if jax.config.jax_enable_x64 else jnp.int32)
    return {"pred": pred, "target": target}


def reference(pred, target):
    logp = jax.nn.log_softmax(pred, axis=-1)
    true_dist = jnp.full(logp.shape, SMOOTHING / (NUM_CLASSES - 1), dtype=logp.dtype)
    rows = jnp.arange(pred.shape[0])
    true_dist = true_dist.at[rows, target].set(CONFIDENCE)
    true_dist = jax.lax.stop_gradient(true_dist)
    return jnp.mean(jnp.sum(-true_dist * logp, axis=-1))

if __name__ == "__main__":
    import jax
    _d = setup_inputs()
    print(jax.jit(kernel)(*tuple(_d.values())))

</pallas_src>

<mosaic_0001>
#map = affine_map<(d0, d1) -> (0, 0)>
#map1 = affine_map<(d0, d1) -> (0)>
module attributes {stable_mosaic.version = 14 : i64} {
  func.func @_sc_cols_body(%arg0: i32, %arg1: i32, %arg2: memref<1000x16384xf32, #tpu.memory_space<hbm>>, %arg3: memref<16384xi32, #tpu.memory_space<hbm>>, %arg4: memref<8192xf32, #tpu.memory_space<hbm>>, %arg5: memref<8192xf32, #tpu.memory_space<hbm>>, %arg6: memref<8192xf32, #tpu.memory_space<hbm>>, %arg7: memref<1000x128xf32, #tpu.memory_space<vmem>>, %arg8: memref<256xi32, #tpu.memory_space<vmem>>, %arg9: memref<256xf32, #tpu.memory_space<vmem>>, %arg10: memref<256xf32, #tpu.memory_space<vmem>>, %arg11: memref<256xf32, #tpu.memory_space<vmem>>, %arg12: memref<!tpu.dma_semaphore, #tpu.memory_space<semaphore_mem>>, %arg13: memref<!tpu.dma_semaphore, #tpu.memory_space<semaphore_mem>>) attributes {dimension_semantics = [#tpu.dimension_semantics<core_parallel>, #tpu.dimension_semantics<subcore_parallel>], iteration_bounds = array<i64: 2, 16>, scalar_prefetch = 0 : i64, scratch_operands = 7 : i64, tpu.core_type = #tpu.core_type<sc_vector_subcore>, window_params = [{transform_indices = #map}, {transform_indices = #map1}, {transform_indices = #map1}, {transform_indices = #map1}, {transform_indices = #map1}]} {
    %mul3A = arith.constant 16 : i32
    %mul3A_0 = arith.muli %arg0, %mul3A : i32
    %add3A = arith.addi %mul3A_0, %arg1 : i32
    %mul3A_1 = arith.constant 256 : i32
    %mul3A_2 = arith.muli %add3A, %mul3A_1 : i32
    %add3A_3 = arith.constant 8192 : i32
    %add3A_4 = arith.addi %add3A_3, %mul3A_2 : i32
    "tpu.region"() ({
      %run_scoped3A = tpu.sem_alloc : memref<!tpu.dma_semaphore, #tpu.memory_space<semaphore_mem>>
      %dma_start3A = tpu.memref_slice %arg3[%add3A_4] : memref<16384xi32, #tpu.memory_space<hbm>> -> memref<256xi32, #tpu.memory_space<hbm>>
      %dma_start3A_14 = tpu.memref_slice %arg3[%add3A_4] : memref<16384xi32, #tpu.memory_space<hbm>> -> memref<256xi32, #tpu.memory_space<hbm>>
      tpu.enqueue_dma source(%dma_start3A_14 : memref<256xi32, #tpu.memory_space<hbm>>) target(%arg8 : memref<256xi32, #tpu.memory_space<vmem>>) target_semaphore(%run_scoped3A : memref<!tpu.dma_semaphore, #tpu.memory_space<semaphore_mem>>)
      %dma_wait3A = tpu.memref_slice %arg3[%add3A_4] : memref<16384xi32, #tpu.memory_space<hbm>> -> memref<256xi32, #tpu.memory_space<hbm>>
      %dma_wait3A_15 = tpu.memref_slice %arg3[%add3A_4] : memref<16384xi32, #tpu.memory_space<hbm>> -> memref<256xi32, #tpu.memory_space<hbm>>
      tpu.wait_dma2 semaphore(%run_scoped3A : memref<!tpu.dma_semaphore, #tpu.memory_space<semaphore_mem>>) src(%dma_wait3A_15 : memref<256xi32, #tpu.memory_space<hbm>>) dst(%arg8 : memref<256xi32, #tpu.memory_space<vmem>>)
      tpu.yield
    }) : () -> ()
    %iota3A = tpu.iota {dimensions = array<i32: 0>} : vector<16xi32>
    %broadcast_in_dim3A = arith.constant 0.000000e+00 : f32
    %broadcast_in_dim3A_5 = vector.broadcast %broadcast_in_dim3A : f32 to vector<16xf32>
    %scan3A = arith.constant 0 : i32
    %scan3A_6 = arith.constant 0 : i32
    %scan3A_7 = arith.constant 2 : i32
    %scan3A_8 = arith.addi %scan3A_6, %scan3A_7 : i32
    %scan3A_9 = arith.constant 1 : i32
    %scan3A_10 = scf.for %scan3A_14 = %scan3A_6 to %scan3A_8 step %scan3A_9 iter_args(%scan3A_15 = %scan3A) -> (i32)  : i32 {
      %mul3A_16 = arith.constant 128 : i32
      %mul3A_17 = arith.muli %scan3A_14, %mul3A_16 : i32
      %add3A_18 = arith.addi %add3A_4, %mul3A_17 : i32
      %dma_start3A = arith.constant 0 : i32
      %dma_start3A_19 = arith.constant 0 : i32
      %dma_start3A_20 = tpu.memref_slice %arg7[%dma_start3A, %dma_start3A_19] : memref<1000x128xf32, #tpu.memory_space<vmem>> -> memref<504x128xf32, #tpu.memory_space<vmem>>
      %dma_start3A_21 = arith.constant 0 : i32
      %dma_start3A_22 = tpu.memref_slice %arg2[%dma_start3A_21, %add3A_18] : memref<1000x16384xf32, #tpu.memory_space<hbm>> -> memref<504x128xf32, #tpu.memory_space<hbm>>
      %dma_start3A_23 = arith.constant 0 : i32
      %dma_start3A_24 = arith.constant 0 : i32
      %dma_start3A_25 = tpu.memref_slice %arg7[%dma_start3A_23, %dma_start3A_24] : memref<1000x128xf32, #tpu.memory_space<vmem>> -> memref<504x128xf32, #tpu.memory_space<vmem>>
      %dma_start3A_26 = arith.constant 0 : i32
      %dma_start3A_27 = tpu.memref_slice %arg2[%dma_start3A_26, %add3A_18] : memref<1000x16384xf32, #tpu.memory_space<hbm>> -> memref<504x128xf32, #tpu.memory_space<hbm>>
      tpu.enqueue_dma source(%dma_start3A_27 : memref<504x128xf32, #tpu.memory_space<hbm>>) target(%dma_start3A_25 : memref<504x128xf32, #tpu.memory_space<vmem>>) target_semaphore(%arg12 : memref<!tpu.dma_semaphore, #tpu.memory_space<semaphore_mem>>)
      %dma_start3A_28 = arith.constant 504 : i32
      %dma_start3A_29 = arith.constant 0 : i32
      %dma_start3A_30 = tpu.memref_slice %arg7[%dma_start3A_28, %dma_start3A_29] : memref<1000x128xf32, #tpu.memory_space<vmem>> -> memref<496x128xf32, #tpu.memory_space<vmem>>
      %dma_start3A_31 = arith.constant 504 : i32
      %dma_start3A_32 = tpu.memref_slice %arg2[%dma_start3A_31, %add3A_18] : memref<1000x16384xf32, #tpu.memory_space<hbm>> -> memref<496x128xf32, #tpu.memory_space<hbm>>
      %dma_start3A_33 = arith.constant 504 : i32
      %dma_start3A_34 = arith.constant 0 : i32
      %dma_start3A_35 = tpu.memref_slice %arg7[%dma_start3A_33, %dma_start3A_34] : memref<1000x128xf32, #tpu.memory_space<vmem>> -> memref<496x128xf32, #tpu.memory_space<vmem>>
      %dma_start3A_36 = arith.constant 504 : i32
      %dma_start3A_37 = tpu.memref_slice %arg2[%dma_start3A_36, %add3A_18] : memref<1000x16384xf32, #tpu.memory_space<hbm>> -> memref<496x128xf32, #tpu.memory_space<hbm>>
      tpu.enqueue_dma source(%dma_start3A_37 : memref<496x128xf32, #tpu.memory_space<hbm>>) target(%dma_start3A_35 : memref<496x128xf32, #tpu.memory_space<vmem>>) target_semaphore(%arg13 : memref<!tpu.dma_semaphore, #tpu.memory_space<semaphore_mem>>)
      %dma_wait3A = arith.constant 0 : i32
      %dma_wait3A_38 = arith.constant 0 : i32
      %dma_wait3A_39 = tpu.memref_slice %arg7[%dma_wait3A, %dma_wait3A_38] : memref<1000x128xf32, #tpu.memory_space<vmem>> -> memref<504x128xf32, #tpu.memory_space<vmem>>
      %dma_wait3A_40 = arith.constant 0 : i32
      %dma_wait3A_41 = tpu.memref_slice %arg2[%dma_wait3A_40, %add3A_18] : memref<1000x16384xf32, #tpu.memory_space<hbm>> -> memref<504x128xf32, #tpu.memory_space<hbm>>
      %dma_wait3A_42 = arith.constant 0 : i32
      %dma_wait3A_43 = arith.constant 0 : i32
      %dma_wait3A_44 = tpu.memref_slice %arg7[%dma_wait3A_42, %dma_wait3A_43] : memref<1000x128xf32, #tpu.memory_space<vmem>> -> memref<504x128xf32, #tpu.memory_space<vmem>>
      %dma_wait3A_45 = arith.constant 0 : i32
      %dma_wait3A_46 = tpu.memref_slice %arg2[%dma_wait3A_45, %add3A_18] : memref<1000x16384xf32, #tpu.memory_space<hbm>> -> memref<504x128xf32, #tpu.memory_space<hbm>>
      tpu.wait_dma2 semaphore(%arg12 : memref<!tpu.dma_semaphore, #tpu.memory_space<semaphore_mem>>) src(%dma_wait3A_46 : memref<504x128xf32, #tpu.memory_space<hbm>>) dst(%dma_wait3A_44 : memref<504x128xf32, #tpu.memory_space<vmem>>)
      %scan3A_47 = arith.constant 0 : i32
      %scan3A_48 = arith.constant 0 : i32
      %scan3A_49 = arith.constant 8 : i32
      %scan3A_50 = arith.addi %scan3A_48, %scan3A_49 : i32
      %scan3A_51 = arith.constant 1 : i32
      %scan3A_52 = scf.for %scan3A_72 = %scan3A_48 to %scan3A_50 step %scan3A_51 iter_args(%scan3A_73 = %scan3A_47) -> (i32)  : i32 {
        %mul3A_74 = arith.constant 16 : i32
        %mul3A_75 = arith.muli %scan3A_72, %mul3A_74 : i32
        %scan3A_76 = arith.constant 0 : i32
        %scan3A_77 = arith.constant 63 : i32
        %scan3A_78 = arith.addi %scan3A_76, %scan3A_77 : i32
        %scan3A_79 = arith.constant 1 : i32
        %scan3A_80:8 = scf.for %scan3A_99 = %scan3A_76 to %scan3A_78 step %scan3A_79 iter_args(%scan3A_100 = %broadcast_in_dim3A_5, %scan3A_101 = %broadcast_in_dim3A_5, %scan3A_102 = %broadcast_in_dim3A_5, %scan3A_103 = %broadcast_in_dim3A_5, %scan3A_104 = %broadcast_in_dim3A_5, %scan3A_105 = %broadcast_in_dim3A_5, %scan3A_106 = %broadcast_in_dim3A_5, %scan3A_107 = %broadcast_in_dim3A_5) -> (vector<16xf32>, vector<16xf32>, vector<16xf32>, vector<16xf32>, vector<16xf32>, vector<16xf32>, vector<16xf32>, vector<16xf32>)  : i32 {
          %mul3A_108 = arith.constant 8 : i32
          %mul3A_109 = arith.muli %mul3A_108, %scan3A_99 : i32
          %add3A_110 = arith.constant 0 : i32
          %add3A_111 = arith.addi %add3A_110, %mul3A_109 : i32
          %add3A_112 = arith.constant 0 : i32
          %add3A_113 = arith.addi %add3A_111, %add3A_112 : i32
          %get3A = arith.index_cast %add3A_113 : i32 to index
          %get3A_114 = arith.index_cast %mul3A_75 : i32 to index
          %get3A_115 = tpu.vector_load %arg7[%get3A, %get3A_114] {strides = array<i32>} : memref<1000x128xf32, #tpu.memory_space<vmem>>, vector<1x16xf32>,
          %get3A_116 = vector.shape_cast %get3A_115 : vector<1x16xf32> to vector<16xf32>
          %add3A_117 = arith.constant 0 : i32
          %add3A_118 = arith.addi %add3A_111, %add3A_117 : i32
          %add3A_119 = arith.constant 1 : i32
          %add3A_120 = arith.addi %add3A_118, %add3A_119 : i32
          %get3A_121 = arith.index_cast %add3A_120 : i32 to index
          %get3A_122 = arith.index_cast %mul3A_75 : i32 to index
          %get3A_123 = tpu.vector_load %arg7[%get3A_121, %get3A_122] {strides = array<i32>} : memref<1000x128xf32, #tpu.memory_space<vmem>>, vector<1x16xf32>,
          %get3A_124 = vector.shape_cast %get3A_123 : vector<1x16xf32> to vector<16xf32>
          %add3A_125 = arith.constant 0 : i32
          %add3A_126 = arith.addi %add3A_111, %add3A_125 : i32
          %add3A_127 = arith.constant 2 : i32
          %add3A_128 = arith.addi %add3A_126, %add3A_127 : i32
          %get3A_129 = arith.index_cast %add3A_128 : i32 to index
          %get3A_130 = arith.index_cast %mul3A_75 : i32 to index
          %get3A_131 = tpu.vector_load %arg7[%get3A_129, %get3A_130] {strides = array<i32>} : memref<1000x128xf32, #tpu.memory_space<vmem>>, vector<1x16xf32>,
          %get3A_132 = vector.shape_cast %get3A_131 : vector<1x16xf32> to vector<16xf32>
          %add3A_133 = arith.constant 0 : i32
          %add3A_134 = arith.addi %add3A_111, %add3A_133 : i32
          %add3A_135 = arith.constant 3 : i32
          %add3A_136 = arith.addi %add3A_134, %add3A_135 : i32
          %get3A_137 = arith.index_cast %add3A_136 : i32 to index
          %get3A_138 = arith.index_cast %mul3A_75 : i32 to index
          %get3A_139 = tpu.vector_load %arg7[%get3A_137, %get3A_138] {strides = array<i32>} : memref<1000x128xf32, #tpu.memory_space<vmem>>, vector<1x16xf32>,
          %get3A_140 = vector.shape_cast %get3A_139 : vector<1x16xf32> to vector<16xf32>
          %exp3A = math.exp %get3A_116 : vector<16xf32>
          %add3A_141 = arith.addf %scan3A_100, %exp3A : vector<16xf32>
          %exp3A_142 = math.exp %get3A_124 : vector<16xf32>
          %add3A_143 = arith.addf %scan3A_101, %exp3A_142 : vector<16xf32>
          %exp3A_144 = math.exp %get3A_132 : vector<16xf32>
          %add3A_145 = arith.addf %scan3A_102, %exp3A_144 : vector<16xf32>
          %exp3A_146 = math.exp %get3A_140 : vector<16xf32>
          %add3A_147 = arith.addf %scan3A_103, %exp3A_146 : vector<16xf32>
          %add3A_148 = arith.addf %scan3A_104, %get3A_116 : vector<16xf32>
          %add3A_149 = arith.addf %scan3A_105, %get3A_124 : vector<16xf32>
          %add3A_150 = arith.addf %scan3A_106, %get3A_132 : vector<16xf32>
          %add3A_151 = arith.addf %scan3A_107, %get3A_140 : vector<16xf32>
          %add3A_152 = arith.constant 4 : i32
          %add3A_153 = arith.addi %add3A_111, %add3A_152 : i32
          %get3A_154 = arith.index_cast %add3A_153 : i32 to index
          %get3A_155 = arith.index_cast %mul3A_75 : i32 to index
          %get3A_156 = tpu.vector_load %arg7[%get3A_154, %get3A_155] {strides = array<i32>} : memref<1000x128xf32, #tpu.memory_space<vmem>>, vector<1x16xf32>,
          %get3A_157 = vector.shape_cast %get3A_156 : vector<1x16xf32> to vector<16xf32>
          %add3A_158 = arith.constant 4 : i32
          %add3A_159 = arith.addi %add3A_111, %add3A_158 : i32
          %add3A_160 = arith.constant 1 : i32
          %add3A_161 = arith.addi %add3A_159, %add3A_160 : i32
          %get3A_162 = arith.index_cast %add3A_161 : i32 to index
          %get3A_163 = arith.index_cast %mul3A_75 : i32 to index
          %get3A_164 = tpu.vector_load %arg7[%get3A_162, %get3A_163] {strides = array<i32>} : memref<1000x128xf32, #tpu.memory_space<vmem>>, vector<1x16xf32>,
          %get3A_165 = vector.shape_cast %get3A_164 : vector<1x16xf32> to vector<16xf32>
          %add3A_166 = arith.constant 4 : i32
          %add3A_167 = arith.addi %add3A_111, %add3A_166 : i32
          %add3A_168 = arith.constant 2 : i32
          %add3A_169 = arith.addi %add3A_167, %add3A_168 : i32
          %get3A_170 = arith.index_cast %add3A_169 : i32 to index
          %get3A_171 = arith.index_cast %mul3A_75 : i32 to index
          %get3A_172 = tpu.vector_load %arg7[%get3A_170, %get3A_171] {strides = array<i32>} : memref<1000x128xf32, #tpu.memory_space<vmem>>, vector<1x16xf32>,
          %get3A_173 = vector.shape_cast %get3A_172 : vector<1x16xf32> to vector<16xf32>
          %add3A_174 = arith.constant 4 : i32
          %add3A_175 = arith.addi %add3A_111, %add3A_174 : i32
          %add3A_176 = arith.constant 3 : i32
          %add3A_177 = arith.addi %add3A_175, %add3A_176 : i32
          %get3A_178 = arith.index_cast %add3A_177 : i32 to index
          %get3A_179 = arith.index_cast %mul3A_75 : i32 to index
          %get3A_180 = tpu.vector_load %arg7[%get3A_178, %get3A_179] {strides = array<i32>} : memref<1000x128xf32, #tpu.memory_space<vmem>>, vector<1x16xf32>,
          %get3A_181 = vector.shape_cast %get3A_180 : vector<1x16xf32> to vector<16xf32>
          %exp3A_182 = math.exp %get3A_157 : vector<16xf32>
          %add3A_183 = arith.addf %add3A_141, %exp3A_182 : vector<16xf32>
          %exp3A_184 = math.exp %get3A_165 : vector<16xf32>
          %add3A_185 = arith.addf %add3A_143, %exp3A_184 : vector<16xf32>
          %exp3A_186 = math.exp %get3A_173 : vector<16xf32>
          %add3A_187 = arith.addf %add3A_145, %exp3A_186 : vector<16xf32>
          %exp3A_188 = math.exp %get3A_181 : vector<16xf32>
          %add3A_189 = arith.addf %add3A_147, %exp3A_188 : vector<16xf32>
          %add3A_190 = arith.addf %add3A_148, %get3A_157 : vector<16xf32>
          %add3A_191 = arith.addf %add3A_149, %get3A_165 : vector<16xf32>
          %add3A_192 = arith.addf %add3A_150, %get3A_173 : vector<16xf32>
          %add3A_193 = arith.addf %add3A_151, %get3A_181 : vector<16xf32>
          scf.yield %add3A_183, %add3A_185, %add3A_187, %add3A_189, %add3A_190, %add3A_191, %add3A_192, %add3A_193 : vector<16xf32>, vector<16xf32>, vector<16xf32>, vector<16xf32>, vector<16xf32>, vector<16xf32>, vector<16xf32>, vector<16xf32>
        }
        %scan3A_81 = arith.constant 63 : i32
        %add3A_82 = arith.addf %scan3A_80#0, %scan3A_80#1 : vector<16xf32>
        %add3A_83 = arith.addf %scan3A_80#2, %scan3A_80#3 : vector<16xf32>
        %add3A_84 = arith.addf %add3A_82, %add3A_83 : vector<16xf32>
        %add3A_85 = arith.addf %scan3A_80#4, %scan3A_80#5 : vector<16xf32>
        %add3A_86 = arith.addf %scan3A_80#6, %scan3A_80#7 : vector<16xf32>
        %add3A_87 = arith.addf %add3A_85, %add3A_86 : vector<16xf32>
        %mul3A_88 = arith.constant 128 : i32
        %mul3A_89 = arith.muli %scan3A_14, %mul3A_88 : i32
        %add3A_90 = arith.addi %mul3A_89, %mul3A_75 : i32
        %swap3A = arith.index_cast %add3A_90 : i32 to index
        %swap3A_91 = tpu.vector_load %arg9[%swap3A] {strides = array<i32>} : memref<256xf32, #tpu.memory_space<vmem>>, vector<16xf32>,
        %swap3A_92 = vector.shape_cast %swap3A_91 : vector<16xf32> to vector<16xf32>
        %swap3A_93 = vector.shape_cast %add3A_84 : vector<16xf32> to vector<16xf32>
        tpu.vector_store %arg9[%swap3A], %swap3A_93 {strides = array<i32>} : memref<256xf32, #tpu.memory_space<vmem>>, vector<16xf32>,
        %swap3A_94 = arith.index_cast %add3A_90 : i32 to index
        %swap3A_95 = tpu.vector_load %arg10[%swap3A_94] {strides = array<i32>} : memref<256xf32, #tpu.memory_space<vmem>>, vector<16xf32>,
        %swap3A_96 = vector.shape_cast %swap3A_95 : vector<16xf32> to vector<16xf32>
        %swap3A_97 = vector.shape_cast %add3A_87 : vector<16xf32> to vector<16xf32>
        tpu.vector_store %arg10[%swap3A_94], %swap3A_97 {strides = array<i32>} : memref<256xf32, #tpu.memory_space<vmem>>, vector<16xf32>,
        %scan3A_98 = arith.constant 0 : i32
        scf.yield %scan3A_98 : i32
      }
      %scan3A_53 = arith.constant 8 : i32
      %dma_wait3A_54 = arith.constant 504 : i32
      %dma_wait3A_55 = arith.constant 0 : i32
      %dma_wait3A_56 = tpu.memref_slice %arg7[%dma_wait3A_54, %dma_wait3A_55] : memref<1000x128xf32, #tpu.memory_space<vmem>> -> memref<496x128xf32, #tpu.memory_space<vmem>>
      %dma_wait3A_57 = arith.constant 504 : i32
      %dma_wait3A_58 = tpu.memref_slice %arg2[%dma_wait3A_57, %add3A_18] : memref<1000x16384xf32, #tpu.memory_space<hbm>> -> memref<496x128xf32, #tpu.memory_space<hbm>>
      %dma_wait3A_59 = arith.constant 504 : i32
      %dma_wait3A_60 = arith.constant 0 : i32
      %dma_wait3A_61 = tpu.memref_slice %arg7[%dma_wait3A_59, %dma_wait3A_60] : memref<1000x128xf32, #tpu.memory_space<vmem>> -> memref<496x128xf32, #tpu.memory_space<vmem>>
      %dma_wait3A_62 = arith.constant 504 : i32
      %dma_wait3A_63 = tpu.memref_slice %arg2[%dma_wait3A_62, %add3A_18] : memref<1000x16384xf32, #tpu.memory_space<hbm>> -> memref<496x128xf32, #tpu.memory_space<hbm>>
      tpu.wait_dma2 semaphore(%arg13 : memref<!tpu.dma_semaphore, #tpu.memory_space<semaphore_mem>>) src(%dma_wait3A_63 : memref<496x128xf32, #tpu.memory_space<hbm>>) dst(%dma_wait3A_61 : memref<496x128xf32, #tpu.memory_space<vmem>>)
      %scan3A_64 = arith.constant 0 : i32
      %scan3A_65 = arith.constant 0 : i32
      %scan3A_66 = arith.constant 8 : i32
      %scan3A_67 = arith.addi %scan3A_65, %scan3A_66 : i32
      %scan3A_68 = arith.constant 1 : i32
      %scan3A_69 = scf.for %scan3A_72 = %scan3A_65 to %scan3A_67 step %scan3A_68 iter_args(%scan3A_73 = %scan3A_64) -> (i32)  : i32 {
        %mul3A_74 = arith.constant 16 : i32
        %mul3A_75 = arith.muli %scan3A_72, %mul3A_74 : i32
        %scan3A_76 = arith.constant 0 : i32
        %scan3A_77 = arith.constant 62 : i32
        %scan3A_78 = arith.addi %scan3A_76, %scan3A_77 : i32
        %scan3A_79 = arith.constant 1 : i32
        %scan3A_80:8 = scf.for %scan3A_269 = %scan3A_76 to %scan3A_78 step %scan3A_79 iter_args(%scan3A_270 = %broadcast_in_dim3A_5, %scan3A_271 = %broadcast_in_dim3A_5, %scan3A_272 = %broadcast_in_dim3A_5, %scan3A_273 = %broadcast_in_dim3A_5, %scan3A_274 = %broadcast_in_dim3A_5, %scan3A_275 = %broadcast_in_dim3A_5, %scan3A_276 = %broadcast_in_dim3A_5, %scan3A_277 = %broadcast_in_dim3A_5) -> (vector<16xf32>, vector<16xf32>, vector<16xf32>, vector<16xf32>, vector<16xf32>, vector<16xf32>, vector<16xf32>, vector<16xf32>)  : i32 {
          %mul3A_278 = arith.constant 8 : i32
          %mul3A_279 = arith.muli %mul3A_278, %scan3A_269 : i32
          %add3A_280 = arith.constant 504 : i32
          %add3A_281 = arith.addi %add3A_280, %mul3A_279 : i32
          %add3A_282 = arith.constant 0 : i32
          %add3A_283 = arith.addi %add3A_281, %add3A_282 : i32
          %get3A_284 = arith.index_cast %add3A_283 : i32 to index
          %get3A_285 = arith.index_cast %mul3A_75 : i32 to index
          %get3A_286 = tpu.vector_load %arg7[%get3A_284, %get3A_285] {strides = array<i32>} : memref<1000x128xf32, #tpu.memory_space<vmem>>, vector<1x16xf32>,
          %get3A_287 = vector.shape_cast %get3A_286 : vector<1x16xf32> to vector<16xf32>
          %add3A_288 = arith.constant 0 : i32
          %add3A_289 = arith.addi %add3A_281, %add3A_288 : i32
          %add3A_290 = arith.constant 1 : i32
          %add3A_291 = arith.addi %add3A_289, %add3A_290 : i32
          %get3A_292 = arith.index_cast %add3A_291 : i32 to index
          %get3A_293 = arith.index_cast %mul3A_75 : i32 to index
          %get3A_294 = tpu.vector_load %arg7[%get3A_292, %get3A_293] {strides = array<i32>} : memref<1000x128xf32, #tpu.memory_space<vmem>>, vector<1x16xf32>,
          %get3A_295 = vector.shape_cast %get3A_294 : vector<1x16xf32> to vector<16xf32>
          %add3A_296 = arith.constant 0 : i32
          %add3A_297 = arith.addi %add3A_281, %add3A_296 : i32
          %add3A_298 = arith.constant 2 : i32
          %add3A_299 = arith.addi %add3A_297, %add3A_298 : i32
          %get3A_300 = arith.index_cast %add3A_299 : i32 to index
          %get3A_301 = arith.index_cast %mul3A_75 : i32 to index
          %get3A_302 = tpu.vector_load %arg7[%get3A_300, %get3A_301] {strides = array<i32>} : memref<1000x128xf32, #tpu.memory_space<vmem>>, vector<1x16xf32>,
          %get3A_303 = vector.shape_cast %get3A_302 : vector<1x16xf32> to vector<16xf32>
          %add3A_304 = arith.constant 0 : i32
          %add3A_305 = arith.addi %add3A_281, %add3A_304 : i32
          %add3A_306 = arith.constant 3 : i32
          %add3A_307 = arith.addi %add3A_305, %add3A_306 : i32
          %get3A_308 = arith.index_cast %add3A_307 : i32 to index
          %get3A_309 = arith.index_cast %mul3A_75 : i32 to index
          %get3A_310 = tpu.vector_load %arg7[%get3A_308, %get3A_309] {strides = array<i32>} : memref<1000x128xf32, #tpu.memory_space<vmem>>, vector<1x16xf32>,
          %get3A_311 = vector.shape_cast %get3A_310 : vector<1x16xf32> to vector<16xf32>
          %exp3A = math.exp %get3A_287 : vector<16xf32>
          %add3A_312 = arith.addf %scan3A_270, %exp3A : vector<16xf32>
          %exp3A_313 = math.exp %get3A_295 : vector<16xf32>
          %add3A_314 = arith.addf %scan3A_271, %exp3A_313 : vector<16xf32>
          %exp3A_315 = math.exp %get3A_303 : vector<16xf32>
          %add3A_316 = arith.addf %scan3A_272, %exp3A_315 : vector<16xf32>
          %exp3A_317 = math.exp %get3A_311 : vector<16xf32>
          %add3A_318 = arith.addf %scan3A_273, %exp3A_317 : vector<16xf32>
          %add3A_319 = arith.addf %scan3A_274, %get3A_287 : vector<16xf32>
          %add3A_320 = arith.addf %scan3A_275, %get3A_295 : vector<16xf32>
          %add3A_321 = arith.addf %scan3A_276, %get3A_303 : vector<16xf32>
          %add3A_322 = arith.addf %scan3A_277, %get3A_311 : vector<16xf32>
          %add3A_323 = arith.constant 4 : i32
          %add3A_324 = arith.addi %add3A_281, %add3A_323 : i32
          %get3A_325 = arith.index_cast %add3A_324 : i32 to index
          %get3A_326 = arith.index_cast %mul3A_75 : i32 to index
          %get3A_327 = tpu.vector_load %arg7[%get3A_325, %get3A_326] {strides = array<i32>} : memref<1000x128xf32, #tpu.memory_space<vmem>>, vector<1x16xf32>,
          %get3A_328 = vector.shape_cast %get3A_327 : vector<1x16xf32> to vector<16xf32>
          %add3A_329 = arith.constant 4 : i32
          %add3A_330 = arith.addi %add3A_281, %add3A_329 : i32
          %add3A_331 = arith.constant 1 : i32
          %add3A_332 = arith.addi %add3A_330, %add3A_331 : i32
          %get3A_333 = arith.index_cast %add3A_332 : i32 to index
          %get3A_334 = arith.index_cast %mul3A_75 : i32 to index
          %get3A_335 = tpu.vector_load %arg7[%get3A_333, %get3A_334] {strides = array<i32>} : memref<1000x128xf32, #tpu.memory_space<vmem>>, vector<1x16xf32>,
          %get3A_336 = vector.shape_cast %get3A_335 : vector<1x16xf32> to vector<16xf32>
          %add3A_337 = arith.constant 4 : i32
          %add3A_338 = arith.addi %add3A_281, %add3A_337 : i32
          %add3A_339 = arith.constant 2 : i32
          %add3A_340 = arith.addi %add3A_338, %add3A_339 : i32
          %get3A_341 = arith.index_cast %add3A_340 : i32 to index
          %get3A_342 = arith.index_cast %mul3A_75 : i32 to index
          %get3A_343 = tpu.vector_load %arg7[%get3A_341, %get3A_342] {strides = array<i32>} : memref<1000x128xf32, #tpu.memory_space<vmem>>, vector<1x16xf32>,
          %get3A_344 = vector.shape_cast %get3A_343 : vector<1x16xf32> to vector<16xf32>
          %add3A_345 = arith.constant 4 : i32
          %add3A_346 = arith.addi %add3A_281, %add3A_345 : i32
          %add3A_347 = arith.constant 3 : i32
          %add3A_348 = arith.addi %add3A_346, %add3A_347 : i32
          %get3A_349 = arith.index_cast %add3A_348 : i32 to index
          %get3A_350 = arith.index_cast %mul3A_75 : i32 to index
          %get3A_351 = tpu.vector_load %arg7[%get3A_349, %get3A_350] {strides = array<i32>} : memref<1000x128xf32, #tpu.memory_space<vmem>>, vector<1x16xf32>,
          %get3A_352 = vector.shape_cast %get3A_351 : vector<1x16xf32> to vector<16xf32>
          %exp3A_353 = math.exp %get3A_328 : vector<16xf32>
          %add3A_354 = arith.addf %add3A_312, %exp3A_353 : vector<16xf32>
          %exp3A_355 = math.exp %get3A_336 : vector<16xf32>
          %add3A_356 = arith.addf %add3A_314, %exp3A_355 : vector<16xf32>
          %exp3A_357 = math.exp %get3A_344 : vector<16xf32>
          %add3A_358 = arith.addf %add3A_316, %exp3A_357 : vector<16xf32>
          %exp3A_359 = math.exp %get3A_352 : vector<16xf32>
          %add3A_360 = arith.addf %add3A_318, %exp3A_359 : vector<16xf32>
          %add3A_361 = arith.addf %add3A_319, %get3A_328 : vector<16xf32>
          %add3A_362 = arith.addf %add3A_320, %get3A_336 : vector<16xf32>
          %add3A_363 = arith.addf %add3A_321, %get3A_344 : vector<16xf32>
          %add3A_364 = arith.addf %add3A_322, %get3A_352 : vector<16xf32>
          scf.yield %add3A_354, %add3A_356, %add3A_358, %add3A_360, %add3A_361, %add3A_362, %add3A_363, %add3A_364 : vector<16xf32>, vector<16xf32>, vector<16xf32>, vector<16xf32>, vector<16xf32>, vector<16xf32>, vector<16xf32>, vector<16xf32>
        }
        %scan3A_81 = arith.constant 62 : i32
        %add3A_82 = arith.addf %scan3A_80#0, %scan3A_80#1 : vector<16xf32>
        %add3A_83 = arith.addf %scan3A_80#2, %scan3A_80#3 : vector<16xf32>
        %add3A_84 = arith.addf %add3A_82, %add3A_83 : vector<16xf32>
        %add3A_85 = arith.addf %scan3A_80#4, %scan3A_80#5 : vector<16xf32>
        %add3A_86 = arith.addf %scan3A_80#6, %scan3A_80#7 : vector<16xf32>
        %add3A_87 = arith.addf %add3A_85, %add3A_86 : vector<16xf32>
        %mul3A_88 = arith.constant 128 : i32
        %mul3A_89 = arith.muli %scan3A_14, %mul3A_88 : i32
        %add3A_90 = arith.addi %mul3A_89, %mul3A_75 : i32
        %get3A = arith.index_cast %add3A_90 : i32 to index
        %get3A_91 = tpu.vector_load %arg9[%get3A] {strides = array<i32>} : memref<256xf32, #tpu.memory_space<vmem>>, vector<16xf32>,
        %get3A_92 = vector.shape_cast %get3A_91 : vector<16xf32> to vector<16xf32>
        %add3A_93 = arith.addf %get3A_92, %add3A_84 : vector<16xf32>
        %swap3A = arith.index_cast %add3A_90 : i32 to index
        %swap3A_94 = tpu.vector_load %arg9[%swap3A] {strides = array<i32>} : memref<256xf32, #tpu.memory_space<vmem>>, vector<16xf32>,
        %swap3A_95 = vector.shape_cast %swap3A_94 : vector<16xf32> to vector<16xf32>
        %swap3A_96 = vector.shape_cast %add3A_93 : vector<16xf32> to vector<16xf32>
        tpu.vector_store %arg9[%swap3A], %swap3A_96 {strides = array<i32>} : memref<256xf32, #tpu.memory_space<vmem>>, vector<16xf32>,
        %get3A_97 = arith.index_cast %add3A_90 : i32 to index
        %get3A_98 = tpu.vector_load %arg10[%get3A_97] {strides = array<i32>} : memref<256xf32, #tpu.memory_space<vmem>>, vector<16xf32>,
        %get3A_99 = vector.shape_cast %get3A_98 : vector<16xf32> to vector<16xf32>
        %add3A_100 = arith.addf %get3A_99, %add3A_87 : vector<16xf32>
        %swap3A_101 = arith.index_cast %add3A_90 : i32 to index
        %swap3A_102 = tpu.vector_load %arg10[%swap3A_101] {strides = array<i32>} : memref<256xf32, #tpu.memory_space<vmem>>, vector<16xf32>,
        %swap3A_103 = vector.shape_cast %swap3A_102 : vector<16xf32> to vector<16xf32>
        %swap3A_104 = vector.shape_cast %add3A_100 : vector<16xf32> to vector<16xf32>
        tpu.vector_store %arg10[%swap3A_101], %swap3A_104 {strides = array<i32>} : memref<256xf32, #tpu.memory_space<vmem>>, vector<16xf32>,
        %get3A_105 = arith.index_cast %add3A_90 : i32 to index
        %get3A_106 = tpu.vector_load %arg8[%get3A_105] {strides = array<i32>} : memref<256xi32, #tpu.memory_space<vmem>>, vector<16xi32>,
        %get3A_107 = vector.shape_cast %get3A_106 : vector<16xi32> to vector<16xi32>
        %slice3A = vector.extract_strided_slice %get3A_107 {offsets = [0], sizes = [1], strides = [1]} : vector<16xi32> to vector<1xi32>
        %squeeze3A = vector.extract %slice3A[0] : i32 from vector<1xi32>
        %get3A_108 = arith.index_cast %squeeze3A : i32 to index
        %get3A_109 = arith.index_cast %mul3A_75 : i32 to index
        %get3A_110 = tpu.vector_load %arg7[%get3A_108, %get3A_109] {strides = array<i32>} : memref<1000x128xf32, #tpu.memory_space<vmem>>, vector<1x16xf32>,
        %get3A_111 = vector.shape_cast %get3A_110 : vector<1x16xf32> to vector<16xf32>
        %eq3A = arith.constant 0 : i32
        %eq3A_112 = vector.broadcast %eq3A : i32 to vector<16xi32>
        %eq3A_113 = arith.cmpi eq, %iota3A, %eq3A_112 : vector<16xi32>
        %select_n3A = arith.select %eq3A_113, %get3A_111, %broadcast_in_dim3A_5 : vector<16xi1>, vector<16xf32>
        %slice3A_114 = vector.extract_strided_slice %get3A_107 {offsets = [1], sizes = [1], strides = [1]} : vector<16xi32> to vector<1xi32>
        %squeeze3A_115 = vector.extract %slice3A_114[0] : i32 from vector<1xi32>
        %get3A_116 = arith.index_cast %squeeze3A_115 : i32 to index
        %get3A_117 = arith.index_cast %mul3A_75 : i32 to index
        %get3A_118 = tpu.vector_load %arg7[%get3A_116, %get3A_117] {strides = array<i32>} : memref<1000x128xf32, #tpu.memory_space<vmem>>, vector<1x16xf32>,
        %get3A_119 = vector.shape_cast %get3A_118 : vector<1x16xf32> to vector<16xf32>
        %eq3A_120 = arith.constant 1 : i32
        %eq3A_121 = vector.broadcast %eq3A_120 : i32 to vector<16xi32>
        %eq3A_122 = arith.cmpi eq, %iota3A, %eq3A_121 : vector<16xi32>
        %select_n3A_123 = arith.select %eq3A_122, %get3A_119, %select_n3A : vector<16xi1>, vector<16xf32>
        %slice3A_124 = vector.extract_strided_slice %get3A_107 {offsets = [2], sizes = [1], strides = [1]} : vector<16xi32> to vector<1xi32>
        %squeeze3A_125 = vector.extract %slice3A_124[0] : i32 from vector<1xi32>
        %get3A_126 = arith.index_cast %squeeze3A_125 : i32 to index
        %get3A_127 = arith.index_cast %mul3A_75 : i32 to index
        %get3A_128 = tpu.vector_load %arg7[%get3A_126, %get3A_127] {strides = array<i32>} : memref<1000x128xf32, #tpu.memory_space<vmem>>, vector<1x16xf32>,
        %get3A_129 = vector.shape_cast %get3A_128 : vector<1x16xf32> to vector<16xf32>
        %eq3A_130 = arith.constant 2 : i32
        %eq3A_131 = vector.broadcast %eq3A_130 : i32 to vector<16xi32>
        %eq3A_132 = arith.cmpi eq, %iota3A, %eq3A_131 : vector<16xi32>
        %select_n3A_133 = arith.select %eq3A_132, %get3A_129, %select_n3A_123 : vector<16xi1>, vector<16xf32>
        %slice3A_134 = vector.extract_strided_slice %get3A_107 {offsets = [3], sizes = [1], strides = [1]} : vector<16xi32> to vector<1xi32>
        %squeeze3A_135 = vector.extract %slice3A_134[0] : i32 from vector<1xi32>
        %get3A_136 = arith.index_cast %squeeze3A_135 : i32 to index
        %get3A_137 = arith.index_cast %mul3A_75 : i32 to index
        %get3A_138 = tpu.vector_load %arg7[%get3A_136, %get3A_137] {strides = array<i32>} : memref<1000x128xf32, #tpu.memory_space<vmem>>, vector<1x16xf32>,
        %get3A_139 = vector.shape_cast %get3A_138 : vector<1x16xf32> to vector<16xf32>
        %eq3A_140 = arith.constant 3 : i32
        %eq3A_141 = vector.broadcast %eq3A_140 : i32 to vector<16xi32>
        %eq3A_142 = arith.cmpi eq, %iota3A, %eq3A_141 : vector<16xi32>
        %select_n3A_143 = arith.select %eq3A_142, %get3A_139, %select_n3A_133 : vector<16xi1>, vector<16xf32>
        %slice3A_144 = vector.extract_strided_slice %get3A_107 {offsets = [4], sizes = [1], strides = [1]} : vector<16xi32> to vector<1xi32>
        %squeeze3A_145 = vector.extract %slice3A_144[0] : i32 from vector<1xi32>
        %get3A_146 = arith.index_cast %squeeze3A_145 : i32 to index
        %get3A_147 = arith.index_cast %mul3A_75 : i32 to index
        %get3A_148 = tpu.vector_load %arg7[%get3A_146, %get3A_147] {strides = array<i32>} : memref<1000x128xf32, #tpu.memory_space<vmem>>, vector<1x16xf32>,
        %get3A_149 = vector.shape_cast %get3A_148 : vector<1x16xf32> to vector<16xf32>
        %eq3A_150 = arith.constant 4 : i32
        %eq3A_151 = vector.broadcast %eq3A_150 : i32 to vector<16xi32>
        %eq3A_152 = arith.cmpi eq, %iota3A, %eq3A_151 : vector<16xi32>
        %select_n3A_153 = arith.select %eq3A_152, %get3A_149, %select_n3A_143 : vector<16xi1>, vector<16xf32>
        %slice3A_154 = vector.extract_strided_slice %get3A_107 {offsets = [5], sizes = [1], strides = [1]} : vector<16xi32> to vector<1xi32>
        %squeeze3A_155 = vector.extract %slice3A_154[0] : i32 from vector<1xi32>
        %get3A_156 = arith.index_cast %squeeze3A_155 : i32 to index
        %get3A_157 = arith.index_cast %mul3A_75 : i32 to index
        %get3A_158 = tpu.vector_load %arg7[%get3A_156, %get3A_157] {strides = array<i32>} : memref<1000x128xf32, #tpu.memory_space<vmem>>, vector<1x16xf32>,
        %get3A_159 = vector.shape_cast %get3A_158 : vector<1x16xf32> to vector<16xf32>
        %eq3A_160 = arith.constant 5 : i32
        %eq3A_161 = vector.broadcast %eq3A_160 : i32 to vector<16xi32>
        %eq3A_162 = arith.cmpi eq, %iota3A, %eq3A_161 : vector<16xi32>
        %select_n3A_163 = arith.select %eq3A_162, %get3A_159, %select_n3A_153 : vector<16xi1>, vector<16xf32>
        %slice3A_164 = vector.extract_strided_slice %get3A_107 {offsets = [6], sizes = [1], strides = [1]} : vector<16xi32> to vector<1xi32>
        %squeeze3A_165 = vector.extract %slice3A_164[0] : i32 from vector<1xi32>
        %get3A_166 = arith.index_cast %squeeze3A_165 : i32 to index
        %get3A_167 = arith.index_cast %mul3A_75 : i32 to index
        %get3A_168 = tpu.vector_load %arg7[%get3A_166, %get3A_167] {strides = array<i32>} : memref<1000x128xf32, #tpu.memory_space<vmem>>, vector<1x16xf32>,
        %get3A_169 = vector.shape_cast %get3A_168 : vector<1x16xf32> to vector<16xf32>
        %eq3A_170 = arith.constant 6 : i32
        %eq3A_171 = vector.broadcast %eq3A_170 : i32 to vector<16xi32>
        %eq3A_172 = arith.cmpi eq, %iota3A, %eq3A_171 : vector<16xi32>
        %select_n3A_173 = arith.select %eq3A_172, %get3A_169, %select_n3A_163 : vector<16xi1>, vector<16xf32>
        %slice3A_174 = vector.extract_strided_slice %get3A_107 {offsets = [7], sizes = [1], strides = [1]} : vector<16xi32> to vector<1xi32>
        %squeeze3A_175 = vector.extract %slice3A_174[0] : i32 from vector<1xi32>
        %get3A_176 = arith.index_cast %squeeze3A_175 : i32 to index
        %get3A_177 = arith.index_cast %mul3A_75 : i32 to index
        %get3A_178 = tpu.vector_load %arg7[%get3A_176, %get3A_177] {strides = array<i32>} : memref<1000x128xf32, #tpu.memory_space<vmem>>, vector<1x16xf32>,
        %get3A_179 = vector.shape_cast %get3A_178 : vector<1x16xf32> to vector<16xf32>
        %eq3A_180 = arith.constant 7 : i32
        %eq3A_181 = vector.broadcast %eq3A_180 : i32 to vector<16xi32>
        %eq3A_182 = arith.cmpi eq, %iota3A, %eq3A_181 : vector<16xi32>
        %select_n3A_183 = arith.select %eq3A_182, %get3A_179, %select_n3A_173 : vector<16xi1>, vector<16xf32>
        %slice3A_184 = vector.extract_strided_slice %get3A_107 {offsets = [8], sizes = [1], strides = [1]} : vector<16xi32> to vector<1xi32>
        %squeeze3A_185 = vector.extract %slice3A_184[0] : i32 from vector<1xi32>
        %get3A_186 = arith.index_cast %squeeze3A_185 : i32 to index
        %get3A_187 = arith.index_cast %mul3A_75 : i32 to index
        %get3A_188 = tpu.vector_load %arg7[%get3A_186, %get3A_187] {strides = array<i32>} : memref<1000x128xf32, #tpu.memory_space<vmem>>, vector<1x16xf32>,
        %get3A_189 = vector.shape_cast %get3A_188 : vector<1x16xf32> to vector<16xf32>
        %eq3A_190 = arith.constant 8 : i32
        %eq3A_191 = vector.broadcast %eq3A_190 : i32 to vector<16xi32>
        %eq3A_192 = arith.cmpi eq, %iota3A, %eq3A_191 : vector<16xi32>
        %select_n3A_193 = arith.select %eq3A_192, %get3A_189, %select_n3A_183 : vector<16xi1>, vector<16xf32>
        %slice3A_194 = vector.extract_strided_slice %get3A_107 {offsets = [9], sizes = [1], strides = [1]} : vector<16xi32> to vector<1xi32>
        %squeeze3A_195 = vector.extract %slice3A_194[0] : i32 from vector<1xi32>
        %get3A_196 = arith.index_cast %squeeze3A_195 : i32 to index
        %get3A_197 = arith.index_cast %mul3A_75 : i32 to index
        %get3A_198 = tpu.vector_load %arg7[%get3A_196, %get3A_197] {strides = array<i32>} : memref<1000x128xf32, #tpu.memory_space<vmem>>, vector<1x16xf32>,
        %get3A_199 = vector.shape_cast %get3A_198 : vector<1x16xf32> to vector<16xf32>
        %eq3A_200 = arith.constant 9 : i32
        %eq3A_201 = vector.broadcast %eq3A_200 : i32 to vector<16xi32>
        %eq3A_202 = arith.cmpi eq, %iota3A, %eq3A_201 : vector<16xi32>
        %select_n3A_203 = arith.select %eq3A_202, %get3A_199, %select_n3A_193 : vector<16xi1>, vector<16xf32>
        %slice3A_204 = vector.extract_strided_slice %get3A_107 {offsets = [10], sizes = [1], strides = [1]} : vector<16xi32> to vector<1xi32>
        %squeeze3A_205 = vector.extract %slice3A_204[0] : i32 from vector<1xi32>
        %get3A_206 = arith.index_cast %squeeze3A_205 : i32 to index
        %get3A_207 = arith.index_cast %mul3A_75 : i32 to index
        %get3A_208 = tpu.vector_load %arg7[%get3A_206, %get3A_207] {strides = array<i32>} : memref<1000x128xf32, #tpu.memory_space<vmem>>, vector<1x16xf32>,
        %get3A_209 = vector.shape_cast %get3A_208 : vector<1x16xf32> to vector<16xf32>
        %eq3A_210 = arith.constant 10 : i32
        %eq3A_211 = vector.broadcast %eq3A_210 : i32 to vector<16xi32>
        %eq3A_212 = arith.cmpi eq, %iota3A, %eq3A_211 : vector<16xi32>
        %select_n3A_213 = arith.select %eq3A_212, %get3A_209, %select_n3A_203 : vector<16xi1>, vector<16xf32>
        %slice3A_214 = vector.extract_strided_slice %get3A_107 {offsets = [11], sizes = [1], strides = [1]} : vector<16xi32> to vector<1xi32>
        %squeeze3A_215 = vector.extract %slice3A_214[0] : i32 from vector<1xi32>
        %get3A_216 = arith.index_cast %squeeze3A_215 : i32 to index
        %get3A_217 = arith.index_cast %mul3A_75 : i32 to index
        %get3A_218 = tpu.vector_load %arg7[%get3A_216, %get3A_217] {strides = array<i32>} : memref<1000x128xf32, #tpu.memory_space<vmem>>, vector<1x16xf32>,
        %get3A_219 = vector.shape_cast %get3A_218 : vector<1x16xf32> to vector<16xf32>
        %eq3A_220 = arith.constant 11 : i32
        %eq3A_221 = vector.broadcast %eq3A_220 : i32 to vector<16xi32>
        %eq3A_222 = arith.cmpi eq, %iota3A, %eq3A_221 : vector<16xi32>
        %select_n3A_223 = arith.select %eq3A_222, %get3A_219, %select_n3A_213 : vector<16xi1>, vector<16xf32>
        %slice3A_224 = vector.extract_strided_slice %get3A_107 {offsets = [12], sizes = [1], strides = [1]} : vector<16xi32> to vector<1xi32>
        %squeeze3A_225 = vector.extract %slice3A_224[0] : i32 from vector<1xi32>
        %get3A_226 = arith.index_cast %squeeze3A_225 : i32 to index
        %get3A_227 = arith.index_cast %mul3A_75 : i32 to index
        %get3A_228 = tpu.vector_load %arg7[%get3A_226, %get3A_227] {strides = array<i32>} : memref<1000x128xf32, #tpu.memory_space<vmem>>, vector<1x16xf32>,
        %get3A_229 = vector.shape_cast %get3A_228 : vector<1x16xf32> to vector<16xf32>
        %eq3A_230 = arith.constant 12 : i32
        %eq3A_231 = vector.broadcast %eq3A_230 : i32 to vector<16xi32>
        %eq3A_232 = arith.cmpi eq, %iota3A, %eq3A_231 : vector<16xi32>
        %select_n3A_233 = arith.select %eq3A_232, %get3A_229, %select_n3A_223 : vector<16xi1>, vector<16xf32>
        %slice3A_234 = vector.extract_strided_slice %get3A_107 {offsets = [13], sizes = [1], strides = [1]} : vector<16xi32> to vector<1xi32>
        %squeeze3A_235 = vector.extract %slice3A_234[0] : i32 from vector<1xi32>
        %get3A_236 = arith.index_cast %squeeze3A_235 : i32 to index
        %get3A_237 = arith.index_cast %mul3A_75 : i32 to index
        %get3A_238 = tpu.vector_load %arg7[%get3A_236, %get3A_237] {strides = array<i32>} : memref<1000x128xf32, #tpu.memory_space<vmem>>, vector<1x16xf32>,
        %get3A_239 = vector.shape_cast %get3A_238 : vector<1x16xf32> to vector<16xf32>
        %eq3A_240 = arith.constant 13 : i32
        %eq3A_241 = vector.broadcast %eq3A_240 : i32 to vector<16xi32>
        %eq3A_242 = arith.cmpi eq, %iota3A, %eq3A_241 : vector<16xi32>
        %select_n3A_243 = arith.select %eq3A_242, %get3A_239, %select_n3A_233 : vector<16xi1>, vector<16xf32>
        %slice3A_244 = vector.extract_strided_slice %get3A_107 {offsets = [14], sizes = [1], strides = [1]} : vector<16xi32> to vector<1xi32>
        %squeeze3A_245 = vector.extract %slice3A_244[0] : i32 from vector<1xi32>
        %get3A_246 = arith.index_cast %squeeze3A_245 : i32 to index
        %get3A_247 = arith.index_cast %mul3A_75 : i32 to index
        %get3A_248 = tpu.vector_load %arg7[%get3A_246, %get3A_247] {strides = array<i32>} : memref<1000x128xf32, #tpu.memory_space<vmem>>, vector<1x16xf32>,
        %get3A_249 = vector.shape_cast %get3A_248 : vector<1x16xf32> to vector<16xf32>
        %eq3A_250 = arith.constant 14 : i32
        %eq3A_251 = vector.broadcast %eq3A_250 : i32 to vector<16xi32>
        %eq3A_252 = arith.cmpi eq, %iota3A, %eq3A_251 : vector<16xi32>
        %select_n3A_253 = arith.select %eq3A_252, %get3A_249, %select_n3A_243 : vector<16xi1>, vector<16xf32>
        %slice3A_254 = vector.extract_strided_slice %get3A_107 {offsets = [15], sizes = [1], strides = [1]} : vector<16xi32> to vector<1xi32>
        %squeeze3A_255 = vector.extract %slice3A_254[0] : i32 from vector<1xi32>
        %get3A_256 = arith.index_cast %squeeze3A_255 : i32 to index
        %get3A_257 = arith.index_cast %mul3A_75 : i32 to index
        %get3A_258 = tpu.vector_load %arg7[%get3A_256, %get3A_257] {strides = array<i32>} : memref<1000x128xf32, #tpu.memory_space<vmem>>, vector<1x16xf32>,
        %get3A_259 = vector.shape_cast %get3A_258 : vector<1x16xf32> to vector<16xf32>
        %eq3A_260 = arith.constant 15 : i32
        %eq3A_261 = vector.broadcast %eq3A_260 : i32 to vector<16xi32>
        %eq3A_262 = arith.cmpi eq, %iota3A, %eq3A_261 : vector<16xi32>
        %select_n3A_263 = arith.select %eq3A_262, %get3A_259, %select_n3A_253 : vector<16xi1>, vector<16xf32>
        %swap3A_264 = arith.index_cast %add3A_90 : i32 to index
        %swap3A_265 = tpu.vector_load %arg11[%swap3A_264] {strides = array<i32>} : memref<256xf32, #tpu.memory_space<vmem>>, vector<16xf32>,
        %swap3A_266 = vector.shape_cast %swap3A_265 : vector<16xf32> to vector<16xf32>
        %swap3A_267 = vector.shape_cast %select_n3A_263 : vector<16xf32> to vector<16xf32>
        tpu.vector_store %arg11[%swap3A_264], %swap3A_267 {strides = array<i32>} : memref<256xf32, #tpu.memory_space<vmem>>, vector<16xf32>,
        %scan3A_268 = arith.constant 0 : i32
        scf.yield %scan3A_268 : i32
      }
      %scan3A_70 = arith.constant 8 : i32
      %scan3A_71 = arith.constant 0 : i32
      scf.yield %scan3A_71 : i32
    }
    %scan3A_11 = arith.constant 2 : i32
    %mul3A_12 = arith.constant 256 : i32
    %mul3A_13 = arith.muli %add3A, %mul3A_12 : i32
    "tpu.region"() ({
      %run_scoped3A = tpu.sem_alloc : memref<!tpu.dma_semaphore, #tpu.memory_space<semaphore_mem>>
      %dma_start3A = tpu.memref_slice %arg4[%mul3A_13] : memref<8192xf32, #tpu.memory_space<hbm>> -> memref<256xf32, #tpu.memory_space<hbm>>
      %dma_start3A_14 = tpu.memref_slice %arg4[%mul3A_13] : memref<8192xf32, #tpu.memory_space<hbm>> -> memref<256xf32, #tpu.memory_space<hbm>>
      tpu.enqueue_dma source(%arg9 : memref<256xf32, #tpu.memory_space<vmem>>) target(%dma_start3A_14 : memref<256xf32, #tpu.memory_space<hbm>>) target_semaphore(%run_scoped3A : memref<!tpu.dma_semaphore, #tpu.memory_space<semaphore_mem>>)
      %dma_wait3A = tpu.memref_slice %arg4[%mul3A_13] : memref<8192xf32, #tpu.memory_space<hbm>> -> memref<256xf32, #tpu.memory_space<hbm>>
      %dma_wait3A_15 = tpu.memref_slice %arg4[%mul3A_13] : memref<8192xf32, #tpu.memory_space<hbm>> -> memref<256xf32, #tpu.memory_space<hbm>>
      tpu.wait_dma2 semaphore(%run_scoped3A : memref<!tpu.dma_semaphore, #tpu.memory_space<semaphore_mem>>) src(%arg9 : memref<256xf32, #tpu.memory_space<vmem>>) dst(%dma_wait3A_15 : memref<256xf32, #tpu.memory_space<hbm>>)
      tpu.yield
    }) : () -> ()
    "tpu.region"() ({
      %run_scoped3A = tpu.sem_alloc : memref<!tpu.dma_semaphore, #tpu.memory_space<semaphore_mem>>
      %dma_start3A = tpu.memref_slice %arg5[%mul3A_13] : memref<8192xf32, #tpu.memory_space<hbm>> -> memref<256xf32, #tpu.memory_space<hbm>>
      %dma_start3A_14 = tpu.memref_slice %arg5[%mul3A_13] : memref<8192xf32, #tpu.memory_space<hbm>> -> memref<256xf32, #tpu.memory_space<hbm>>
      tpu.enqueue_dma source(%arg10 : memref<256xf32, #tpu.memory_space<vmem>>) target(%dma_start3A_14 : memref<256xf32, #tpu.memory_space<hbm>>) target_semaphore(%run_scoped3A : memref<!tpu.dma_semaphore, #tpu.memory_space<semaphore_mem>>)
      %dma_wait3A = tpu.memref_slice %arg5[%mul3A_13] : memref<8192xf32, #tpu.memory_space<hbm>> -> memref<256xf32, #tpu.memory_space<hbm>>
      %dma_wait3A_15 = tpu.memref_slice %arg5[%mul3A_13] : memref<8192xf32, #tpu.memory_space<hbm>> -> memref<256xf32, #tpu.memory_space<hbm>>
      tpu.wait_dma2 semaphore(%run_scoped3A : memref<!tpu.dma_semaphore, #tpu.memory_space<semaphore_mem>>) src(%arg10 : memref<256xf32, #tpu.memory_space<vmem>>) dst(%dma_wait3A_15 : memref<256xf32, #tpu.memory_space<hbm>>)
      tpu.yield
    }) : () -> ()
    "tpu.region"() ({
      %run_scoped3A = tpu.sem_alloc : memref<!tpu.dma_semaphore, #tpu.memory_space<semaphore_mem>>
      %dma_start3A = tpu.memref_slice %arg6[%mul3A_13] : memref<8192xf32, #tpu.memory_space<hbm>> -> memref<256xf32, #tpu.memory_space<hbm>>
      %dma_start3A_14 = tpu.memref_slice %arg6[%mul3A_13] : memref<8192xf32, #tpu.memory_space<hbm>> -> memref<256xf32, #tpu.memory_space<hbm>>
      tpu.enqueue_dma source(%arg11 : memref<256xf32, #tpu.memory_space<vmem>>) target(%dma_start3A_14 : memref<256xf32, #tpu.memory_space<hbm>>) target_semaphore(%run_scoped3A : memref<!tpu.dma_semaphore, #tpu.memory_space<semaphore_mem>>)
      %dma_wait3A = tpu.memref_slice %arg6[%mul3A_13] : memref<8192xf32, #tpu.memory_space<hbm>> -> memref<256xf32, #tpu.memory_space<hbm>>
      %dma_wait3A_15 = tpu.memref_slice %arg6[%mul3A_13] : memref<8192xf32, #tpu.memory_space<hbm>> -> memref<256xf32, #tpu.memory_space<hbm>>
      tpu.wait_dma2 semaphore(%run_scoped3A : memref<!tpu.dma_semaphore, #tpu.memory_space<semaphore_mem>>) src(%arg11 : memref<256xf32, #tpu.memory_space<vmem>>) dst(%dma_wait3A_15 : memref<256xf32, #tpu.memory_space<hbm>>)
      tpu.yield
    }) : () -> ()
    return
  }
}

module attributes {stable_mosaic.version = 14 : i64} {
  func.func @_tc_stream_body(%arg0: i32, %arg1: memref<1000x2048xf32, #tpu.memory_space<vmem>>, %arg2: memref<1x1x2048xi32, #tpu.memory_space<vmem>>, %arg3: memref<1x1xf32, #tpu.memory_space<vmem>>) attributes {dimension_semantics = [#tpu.dimension_semantics<arbitrary>], iteration_bounds = array<i64: 4>, scalar_prefetch = 0 : i64, scratch_operands = 0 : i64, tpu.core_type = #tpu.core_type<tc>, window_params = [{transform_indices = @transform_0, window_bounds = array<i64: 1000, 2048>}, {transform_indices = @transform_1, window_bounds = array<i64: 1, 1, 2048>}, {pipeline_mode = #tpu.pipeline_mode<synchronous>, transform_indices = @transform_2, window_bounds = array<i64: 1, 1>}]} {
    %get3A = arith.constant 0 : index
    %get3A_0 = arith.constant 0 : index
    %get3A_1 = vector.load %arg1[%get3A, %get3A_0] : memref<1000x2048xf32, #tpu.memory_space<vmem>>, vector<1000x2048xf32>
    %reduce_max3A = arith.constant dense<0xFF800000> : vector<2048xf32>
    %reduce_max3A_2 = vector.multi_reduction <maximumf>, %get3A_1, %reduce_max3A [0] : vector<1000x2048xf32> to vector<2048xf32>
    %broadcast_in_dim3A = vector.shape_cast %reduce_max3A_2 : vector<2048xf32> to vector<1x2048xf32>
    %sub3A = vector.broadcast %broadcast_in_dim3A : vector<1x2048xf32> to vector<1000x2048xf32>
    %sub3A_3 = arith.subf %get3A_1, %sub3A : vector<1000x2048xf32>
    %exp3A = math.exp %sub3A_3 : vector<1000x2048xf32>
    %reduce_sum3A = arith.constant dense<0.000000e+00> : vector<2048xf32>
    %reduce_sum3A_4 = vector.multi_reduction <add>, %exp3A, %reduce_sum3A [0] : vector<1000x2048xf32> to vector<2048xf32>
    %broadcast_in_dim3A_5 = vector.shape_cast %reduce_sum3A_4 : vector<2048xf32> to vector<1x2048xf32>
    %log3A = math.log %broadcast_in_dim3A_5 : vector<1x2048xf32>
    %reduce_sum3A_6 = arith.constant dense<0.000000e+00> : vector<2048xf32>
    %reduce_sum3A_7 = vector.multi_reduction <add>, %get3A_1, %reduce_sum3A_6 [0] : vector<1000x2048xf32> to vector<2048xf32>
    %broadcast_in_dim3A_8 = vector.shape_cast %reduce_sum3A_7 : vector<2048xf32> to vector<1x2048xf32>
    %add3A = arith.addf %broadcast_in_dim3A, %log3A : vector<1x2048xf32>
    %mul3A = arith.constant 1.000000e+03 : f32
    %mul3A_9 = vector.broadcast %mul3A : f32 to vector<1x2048xf32>
    %mul3A_10 = arith.mulf %mul3A_9, %add3A : vector<1x2048xf32>
    %sub3A_11 = arith.subf %broadcast_in_dim3A_8, %mul3A_10 : vector<1x2048xf32>
    %get3A_12 = arith.constant 0 : index
    %get3A_13 = arith.constant 0 : index
    %get3A_14 = arith.constant 0 : index
    %get3A_15 = vector.load %arg2[%get3A_12, %get3A_13, %get3A_14] : memref<1x1x2048xi32, #tpu.memory_space<vmem>>, vector<1x1x2048xi32>
    %get3A_16 = vector.shape_cast %get3A_15 : vector<1x1x2048xi32> to vector<2048xi32>
    %iota3A = tpu.iota {dimensions = array<i32: 0>} : vector<1000x2048xi32>
    %broadcast_in_dim3A_17 = vector.shape_cast %get3A_16 : vector<2048xi32> to vector<1x2048xi32>
    %eq3A = vector.broadcast %broadcast_in_dim3A_17 : vector<1x2048xi32> to vector<1000x2048xi32>
    %eq3A_18 = arith.cmpi eq, %iota3A, %eq3A : vector<1000x2048xi32>
    %jit3A = arith.constant 0.000000e+00 : f32
    %broadcast_in_dim3A_19 = vector.broadcast %jit3A : f32 to vector<1000x2048xf32>
    %select_n3A = arith.select %eq3A_18, %get3A_1, %broadcast_in_dim3A_19 : vector<1000x2048xi1>, vector<1000x2048xf32>
    %reduce_sum3A_20 = arith.constant dense<0.000000e+00> : vector<2048xf32>
    %reduce_sum3A_21 = vector.multi_reduction <add>, %select_n3A, %reduce_sum3A_20 [0] : vector<1000x2048xf32> to vector<2048xf32>
    %broadcast_in_dim3A_22 = vector.shape_cast %reduce_sum3A_21 : vector<2048xf32> to vector<1x2048xf32>
    %sub3A_23 = arith.subf %broadcast_in_dim3A_22, %broadcast_in_dim3A : vector<1x2048xf32>
    %sub3A_24 = arith.subf %sub3A_23, %log3A : vector<1x2048xf32>
    %mul3A_25 = arith.constant 1.001001E-4 : f32
    %mul3A_26 = vector.broadcast %mul3A_25 : f32 to vector<1x2048xf32>
    %mul3A_27 = arith.mulf %mul3A_26, %sub3A_11 : vector<1x2048xf32>
    %mul3A_28 = arith.constant 0.899899899 : f32
    %mul3A_29 = vector.broadcast %mul3A_28 : f32 to vector<1x2048xf32>
    %mul3A_30 = arith.mulf %mul3A_29, %sub3A_24 : vector<1x2048xf32>
    %add3A_31 = arith.addf %mul3A_27, %mul3A_30 : vector<1x2048xf32>
    %neg3A = arith.constant 0.000000e+00 : f32
    %neg3A_32 = vector.broadcast %neg3A : f32 to vector<1x2048xf32>
    %neg3A_33 = arith.subf %neg3A_32, %add3A_31 : vector<1x2048xf32>
    %reduce_sum3A_34 = vector.shape_cast %neg3A_33 : vector<1x2048xf32> to vector<1x1x2048xf32>
    %reduce_sum3A_35 = arith.constant dense<0.000000e+00> : vector<1xf32>
    %reduce_sum3A_36 = vector.multi_reduction <add>, %reduce_sum3A_34, %reduce_sum3A_35 [1, 2] : vector<1x1x2048xf32> to vector<1xf32>
    %reduce_sum3A_37 = vector.shape_cast %reduce_sum3A_36 : vector<1xf32> to vector<1x1x1xf32>
    %reduce_sum3A_38 = vector.extract %reduce_sum3A_37[0, 0, 0] : f32 from vector<1x1x1xf32>
    %reshape3A = vector.broadcast %reduce_sum3A_38 : f32 to vector<1x1xf32>
    %eq3A_39 = arith.constant 0 : i32
    %eq3A_40 = arith.cmpi eq, %arg0, %eq3A_39 : i32
    %convert_element_type3A = arith.extui %eq3A_40 : i1 to i32
    %cond3A = arith.constant 0 : i32
    %cond3A_41 = arith.cmpi ne, %convert_element_type3A, %cond3A : i32
    scf.if %cond3A_41 {
      %swap3A = arith.constant 0 : index
      %swap3A_46 = arith.constant 0 : index
      %swap3A_47 = vector.load %arg3[%swap3A, %swap3A_46] : memref<1x1xf32, #tpu.memory_space<vmem>>, vector<1x1xf32>
      tpu.vector_store %arg3[%swap3A, %swap3A_46], %reshape3A {strides = array<i32>} : memref<1x1xf32, #tpu.memory_space<vmem>>, vector<1x1xf32>,
    } else {
    }
    %ne3A = arith.constant 0 : i32
    %ne3A_42 = arith.cmpi ne, %arg0, %ne3A : i32
    %convert_element_type3A_43 = arith.extui %ne3A_42 : i1 to i32
    %cond3A_44 = arith.constant 0 : i32
    %cond3A_45 = arith.cmpi ne, %convert_element_type3A_43, %cond3A_44 : i32
    scf.if %cond3A_45 {
      %get3A_46 = arith.constant 0 : index
      %get3A_47 = arith.constant 0 : index
      %get3A_48 = vector.load %arg3[%get3A_46, %get3A_47] : memref<1x1xf32, #tpu.memory_space<vmem>>, vector<1x1xf32>
      %add3A_49 = arith.addf %get3A_48, %reshape3A : vector<1x1xf32>
      %swap3A = arith.constant 0 : index
      %swap3A_50 = arith.constant 0 : index
      %swap3A_51 = vector.load %arg3[%swap3A, %swap3A_50] : memref<1x1xf32, #tpu.memory_space<vmem>>, vector<1x1xf32>
      tpu.vector_store %arg3[%swap3A, %swap3A_50], %add3A_49 {strides = array<i32>} : memref<1x1xf32, #tpu.memory_space<vmem>>, vector<1x1xf32>,
    } else {
    }
    return
  }
  func.func @transform_0(%arg0: i32) -> (i32, i32) {
    %c0_i32 = arith.constant 0 : i32
    %c0_i32_0 = arith.constant 0 : i32
    return %c0_i32, %arg0 : i32, i32
  }
  func.func @transform_1(%arg0: i32) -> (i32, i32, i32) {
    %c0_i32 = arith.constant 0 : i32
    %c0_i32_0 = arith.constant 0 : i32
    %c0_i32_1 = arith.constant 0 : i32
    return %arg0, %c0_i32, %c0_i32_0 : i32, i32, i32
  }
  func.func @transform_2(%arg0: i32) -> (i32, i32) {
    %c0_i32 = arith.constant 0 : i32
    %c0_i32_0 = arith.constant 0 : i32
    %c0_i32_1 = arith.constant 0 : i32
    return %c0_i32, %c0_i32_0 : i32, i32
  }
}

module attributes {stable_mosaic.version = 14 : i64} {
  func.func @_combine_body(%arg0: memref<1x1xf32, #tpu.memory_space<vmem>>, %arg1: memref<64x128xf32, #tpu.memory_space<vmem>>, %arg2: memref<64x128xf32, #tpu.memory_space<vmem>>, %arg3: memref<64x128xf32, #tpu.memory_space<vmem>>, %arg4: memref<1x1xf32, #tpu.memory_space<vmem>>) attributes {dimension_semantics = [], scalar_prefetch = 0 : i64, scratch_operands = 0 : i64, tpu.core_type = #tpu.core_type<tc>} {
    %get3A = arith.constant 0 : index
    %get3A_0 = arith.constant 0 : index
    %get3A_1 = vector.load %arg1[%get3A, %get3A_0] : memref<64x128xf32, #tpu.memory_space<vmem>>, vector<64x128xf32>
    %log3A = math.log %get3A_1 : vector<64x128xf32>
    %get3A_2 = arith.constant 0 : index
    %get3A_3 = arith.constant 0 : index
    %get3A_4 = vector.load %arg2[%get3A_2, %get3A_3] : memref<64x128xf32, #tpu.memory_space<vmem>>, vector<64x128xf32>
    %reduce_sum3A = vector.shape_cast %get3A_4 : vector<64x128xf32> to vector<1x64x128xf32>
    %reduce_sum3A_5 = arith.constant dense<0.000000e+00> : vector<1xf32>
    %reduce_sum3A_6 = vector.multi_reduction <add>, %reduce_sum3A, %reduce_sum3A_5 [1, 2] : vector<1x64x128xf32> to vector<1xf32>
    %reduce_sum3A_7 = vector.shape_cast %reduce_sum3A_6 : vector<1xf32> to vector<1x1x1xf32>
    %reduce_sum3A_8 = vector.extract %reduce_sum3A_7[0, 0, 0] : f32 from vector<1x1x1xf32>
    %mul3A = arith.constant 1.001001E-4 : f32
    %mul3A_9 = arith.mulf %mul3A, %reduce_sum3A_8 : f32
    %get3A_10 = arith.constant 0 : index
    %get3A_11 = arith.constant 0 : index
    %get3A_12 = vector.load %arg3[%get3A_10, %get3A_11] : memref<64x128xf32, #tpu.memory_space<vmem>>, vector<64x128xf32>
    %reduce_sum3A_13 = vector.shape_cast %get3A_12 : vector<64x128xf32> to vector<1x64x128xf32>
    %reduce_sum3A_14 = arith.constant dense<0.000000e+00> : vector<1xf32>
    %reduce_sum3A_15 = vector.multi_reduction <add>, %reduce_sum3A_13, %reduce_sum3A_14 [1, 2] : vector<1x64x128xf32> to vector<1xf32>
    %reduce_sum3A_16 = vector.shape_cast %reduce_sum3A_15 : vector<1xf32> to vector<1x1x1xf32>
    %reduce_sum3A_17 = vector.extract %reduce_sum3A_16[0, 0, 0] : f32 from vector<1x1x1xf32>
    %mul3A_18 = arith.constant 0.899899899 : f32
    %mul3A_19 = arith.mulf %mul3A_18, %reduce_sum3A_17 : f32
    %add3A = arith.addf %mul3A_9, %mul3A_19 : f32
    %reduce_sum3A_20 = vector.shape_cast %log3A : vector<64x128xf32> to vector<1x64x128xf32>
    %reduce_sum3A_21 = arith.constant dense<0.000000e+00> : vector<1xf32>
    %reduce_sum3A_22 = vector.multi_reduction <add>, %reduce_sum3A_20, %reduce_sum3A_21 [1, 2] : vector<1x64x128xf32> to vector<1xf32>
    %reduce_sum3A_23 = vector.shape_cast %reduce_sum3A_22 : vector<1xf32> to vector<1x1x1xf32>
    %reduce_sum3A_24 = vector.extract %reduce_sum3A_23[0, 0, 0] : f32 from vector<1x1x1xf32>
    %mul3A_25 = arith.constant 1.000000e+00 : f32
    %mul3A_26 = arith.mulf %mul3A_25, %reduce_sum3A_24 : f32
    %sub3A = arith.subf %add3A, %mul3A_26 : f32
    %neg3A = arith.constant 0.000000e+00 : f32
    %neg3A_27 = arith.subf %neg3A, %sub3A : f32
    %reshape3A = vector.broadcast %neg3A_27 : f32 to vector<1x1xf32>
    %get3A_28 = arith.constant 0 : index
    %get3A_29 = arith.constant 0 : index
    %get3A_30 = vector.load %arg0[%get3A_28, %get3A_29] : memref<1x1xf32, #tpu.memory_space<vmem>>, vector<1x1xf32>
    %add3A_31 = arith.addf %reshape3A, %get3A_30 : vector<1x1xf32>
    %swap3A = arith.constant 0 : index
    %swap3A_32 = arith.constant 0 : index
    %swap3A_33 = vector.load %arg4[%swap3A, %swap3A_32] : memref<1x1xf32, #tpu.memory_space<vmem>>, vector<1x1xf32>
    tpu.vector_store %arg4[%swap3A, %swap3A_32], %add3A_31 {strides = array<i32>} : memref<1x1xf32, #tpu.memory_space<vmem>>, vector<1x1xf32>,
    return
  }
}

</mosaic_0001>

<sc_bundles>
// kernel: kernel.5.cloned.1.call-start
scs
__scs_entry_jumppad:
0x0: {  	(pc) =	sbr.rel $0x88, $3  }
0x1: {  	(tag) =	ssettag $0x0;
	lr =	simm.s32 $0x1  }
0x2: {  	[smem:$0x3F9F] =	sst lr;
	_ =	strace $0xD0000000  }
0x3: {  	_ = 	snop  }
0x4: {  	_ = 	snop  }
0x5: {  	_ = 	snop  }
0x6: {  	_ = 	snop  }
0x7: {  	_ = 	snop  }
__scs_overlays_trampoline_lowered:
0x8: {  	[smem:$0x3FAE] =	sst s0  }
0x9: {  	[smem:$0x3FAF] =	sst s1  }
0xa: {  	[smem:$0x3FB0] =	sst s2  }
0xb: {  	[smem:$0x3FB1] =	sst s3  }
0xc: {  	[smem:$0x3FB2] =	sst s4  }
0xd: {  	[smem:$0x3FB3] =	sst s5  }
0xe: {  	[smem:$0x3FB4] =	sst s6  }
0xf: {  	[smem:$0x3FB5] =	sst s7  }
0x10: {  	[smem:$0x3FB6] =	sst s8  }
0x11: {  	[smem:$0x3FB7] =	sst s9;
	s0 =	simm.s32 @!p0 $0x0  }
0x12: {  	s1 =	sld [smem:$0x3F9D];
	s0 =	simm.s32 @p0 $0x1  }
0x13: {  	[smem:$0x3FB8] =	sst s0;
	s0 =	simm.s32 @!p1 $0x0  }
0x14: {  	s2 =	sld [smem:$0x3F9C];
	s0 =	simm.s32 @p1 $0x1  }
0x15: {  	[smem:$0x3FB9] =	sst s0;
	s0 =	simm.s32 @!p2 $0x0  }
0x16: {  	s3 =	sld [smem:$0x3FDB];
	s0 =	simm.s32 @p2 $0x1  }
0x17: {  	s4 =	simm.s32 $0x1BF5;
	[smem:$0x3FBB] =	sst s0  }
0x18: {  	s0 =	sld [smem:$0x3F9E];
	_ =	swait.ge [sflag:s4], $0x0  }
0x19: {  	s7 =	sld [smem:$0x3F9F]  }
0x1a: {  	s8 =	sadd.s32 $0xFFFFE003, lr  }
0x1b: {  	s9 =	sadd.s32 $0xFFFFFEF7, lr;
	s5 =	simm.s32 $0xFFFFFFFF;
	p2 =	slt.u32 s8, $0xFFFFF086  }
0x1c: {  	p1 =	slt.u32 s9, $0xF7A;
	s5 =	simm.s32 @!p2 $0x0  }
0x1d: {  	s5 =	simm.s32 @p1 $0x1;
	p0 =	seq.s32 s7, s2  }
0x1e: {  	s7 =	smul.u32 @!p0 $0xF7A, s2;
	p2 =	seq.s32 @!p0 s5, $0x0  }
0x1f: {  	s9 =	smul.u32 $0xF7A, s1;
	s8 =	simm.s32 @!p0 $0x1BF5;
	p2 =	por !p2, p0  }
0x20: {  	[sflag:s8] =	ssyncset.s32 @!p0 $0xFFFFF086;
	s6 =	sadd.s32 @!p0 s3, s7;
	s7 =	simm.s32 @!p0 $0x108  }
0x21: {  	s3 =	sadd.s32 s3, s9;
	s6 =	sadd.s32 @!p0 $0x88, s6;
	s7 =	simm.s32 @p2 $0x1082  }
0x22: {  	[simem:s7], [sflag:s8] =	dma.local @!p0 [hbm:s6], $0xF7A  }
0x23: {  	s9 =	sor.u32 $0xD0000000, s2;
	s6 =	simm.s32 $0x108;
	_ =	swait.ge @!p0 [sflag:s8], $0x0  }
0x24: {  	s3 =	sadd.s32 $0x88, s3;
	s6 =	simm.s32 @!p1 $0x1082;
	[sflag:s4] =	ssyncset.s32 $0xFFFFF086  }
0x25: {  	[simem:s6], [sflag:s4] =	dma.local [hbm:s3], $0xF7A  }
0x26: {  	[smem:$0x3F9F] =	sst s1;
	(tag) =	ssettag s2;
	_ =	strace s9  }
0x27: {  	s1 =	sld [smem:$0x3FAF]  }
0x28: {  	s2 =	sld [smem:$0x3FB0]  }
0x29: {  	s4 =	sld [smem:$0x3FB2]  }
0x2a: {  	p0 =	seq.s32 s5, $0x0;
	s5 =	sld [smem:$0x3FB3]  }
0x2b: {  	s6 =	sld [smem:$0x3FB4]  }
0x2c: {  	s7 =	sld [smem:$0x3FB5]  }
0x2d: {  	s3 =	simm.s32 $0x108;
	s8 =	sld [smem:$0x3FB6]  }
0x2e: {  	s3 =	simm.s32 @!p0 $0x1082;
	s9 =	sld [smem:$0x3FB7]  }
0x2f: {  	lr =	sadd.s32 s0, s3;
	s0 =	sld [smem:$0x3FAE]  }
0x30: {  	s3 =	sld [smem:$0x3FB1]  }
0x31: {  	[smem:$0x3FBA] =	sst s10  }
0x32: {  	s10 =	sld [smem:$0x3FB8];
	_ =	sdelay $0x3  }
0x33: {  	p0 =	seq.s32 s10, $0x1;
	s10 =	sld [smem:$0x3FBA];
	_ =	sdelay $0x3  }
0x34: {  	[smem:$0x3FBA] =	sst s10  }
0x35: {  	s10 =	sld [smem:$0x3FB9];
	_ =	sdelay $0x3  }
0x36: {  	p1 =	seq.s32 s10, $0x1;
	s10 =	sld [smem:$0x3FBA];
	_ =	sdelay $0x3  }
0x37: {  	[smem:$0x3FBA] =	sst s10  }
0x38: {  	s10 =	sld [smem:$0x3FBB]  }
0x39: {  	_ = 	snop;
	(pc) =	sbr.ind lr, $3  }
0x3a: {  	_ = 	snop  }
0x3b: {  	_ = 	snop  }
0x3c: {  	p2 =	seq.s32 s10, $0x1;
	s10 =	sld [smem:$0x3FBA]  }
0x3d: {  	_ =	shalt  }
0x3e: {  	_ =	shalt  }
0x3f: {  	_ =	shalt  }
0x40: {  	_ =	shalt  }
0x41: {  	_ =	shalt  }
0x42: {  	_ =	shalt  }
0x43: {  	_ =	shalt  }
0x44: {  	_ =	shalt  }
0x45: {  	_ =	shalt  }
0x46: {  	_ =	shalt  }
0x47: {  	_ =	shalt  }
0x48: {  	_ =	shalt  }
0x49: {  	_ =	shalt  }
0x4a: {  	_ =	shalt  }
0x4b: {  	_ =	shalt  }
0x4c: {  	_ =	shalt  }
0x4d: {  	_ =	shalt  }
0x4e: {  	_ =	shalt  }
0x4f: {  	_ =	shalt  }
0x50: {  	_ =	shalt  }
0x51: {  	_ =	shalt  }
0x52: {  	_ =	shalt  }
0x53: {  	_ =	shalt  }
0x54: {  	_ =	shalt  }
0x55: {  	_ =	shalt  }
0x56: {  	_ =	shalt  }
0x57: {  	_ =	shalt  }
0x58: {  	_ =	shalt  }
0x59: {  	_ =	shalt  }
0x5a: {  	_ =	shalt  }
0x5b: {  	_ =	shalt  }
0x5c: {  	_ =	shalt  }
0x5d: {  	_ =	shalt  }
0x5e: {  	_ =	shalt  }
0x5f: {  	_ =	shalt  }
0x60: {  	_ =	shalt  }
0x61: {  	_ =	shalt  }
0x62: {  	_ =	shalt  }
0x63: {  	_ =	shalt  }
0x64: {  	_ =	shalt  }
0x65: {  	_ =	shalt  }
0x66: {  	_ =	shalt  }
0x67: {  	_ =	shalt  }
0x68: {  	_ =	shalt  }
0x69: {  	_ =	shalt  }
0x6a: {  	_ =	shalt  }
0x6b: {  	_ =	shalt  }
0x6c: {  	_ =	shalt  }
0x6d: {  	_ =	shalt  }
0x6e: {  	_ =	shalt  }
0x6f: {  	_ =	shalt  }
0x70: {  	_ =	shalt  }
0x71: {  	_ =	shalt  }
0x72: {  	_ =	shalt  }
0x73: {  	_ =	shalt  }
0x74: {  	_ =	shalt  }
0x75: {  	_ =	shalt  }
0x76: {  	_ =	shalt  }
0x77: {  	_ =	shalt  }
0x78: {  	_ =	shalt  }
0x79: {  	_ =	shalt  }
0x7a: {  	_ =	shalt  }
0x7b: {  	_ =	shalt  }
0x7c: {  	_ =	shalt  }
0x7d: {  	_ =	shalt  }
0x7e: {  	_ =	shalt  }
0x7f: {  	_ =	shalt  }
0x80: {  	_ =	shalt  }
0x81: {  	_ =	shalt  }
0x82: {  	_ =	shalt  }
0x83: {  	_ =	shalt  }
0x84: {  	_ =	shalt  }
0x85: {  	_ =	shalt  }
0x86: {  	_ =	shalt  }
0x87: {  	_ =	shalt  }
.Lfunc_end0:
.L_simem_size_0:
called_computation_lowered:
.L_overlay_start_0:
0x88: {  	s2 =	sld [smem:$0x3FD9]  }
0x89: {  	s3 =	sld [smem:$0x3FFE];
	_ =	sdelay $0x1  }
0x8a: {  	s1 =	srdreg.scid  }
0x8b: {  	s0 =	sand.u32 $0x1, s1  }
0x8c: {  	s17 =	sshll.u32 s0, $0xA;
	s2 =	sadd.s32 s3, s2  }
0x8d: {  	s2 =	sadd.s32 s2, s17  }
0x8e: {  	[smem:$0x3FC6] =	sst s2  }
0x8f: {  	_ = 	snop  }
0x90: {  	s2 =	sld [smem:$0x3FC9]  }
0x91: {  	s18 =	sld [smem:$0x3FC8];
	(tm) =	ssettm $0x1  }
0x92: {  	s4 =	sld [smem:$0x3FFB];
	_ =	sdelay $0x3  }
0x93: {  	_ =	strace s4  }
0x94: {  	s4 =	sld [smem:$0x3FFC];
	_ =	sdelay $0x3  }
0x95: {  	_ =	strace s4  }
0x96: {  	s4 =	sld [smem:$0x3FFD];
	_ =	sdelay $0x3  }
0x97: {  	_ =	strace s4  }
0x98: {  	_ =	strace $0x8FFFFFFF  }
0x99: {  	s19 =	sld [smem:$0x3FDB];
	_ =	sdelay $0x1  }
0x9a: {  	s5 =	simm.s32 $_scs_section_size  }
0x9b: {  	s6 =	simm.s32 $_size__tile_overlayer_lowered;
	s7 =	simm.s32 $_tile_overlayer_lowered  }
0x9c: {  	s22 =	simm.s32 $0x1BFF;
	s21 =	sshll.u32 s7, $0x1;
	s4 =	sadd.s32 s5, s19  }
0x9d: {  	s8 =	simm.s32 $0x0;
	s20 =	sshll.u32 s6, $0x1;
	s6 =	sadd.s32 s21, s4  }
0x9e: {  	[timem:s8], [sflag:s22] =	dma.local [hbm:s6], s20  }
0x9f: {  	_ =	swait.ge [sflag:s22], s20  }
0xa0: {  	s5 =	ssub.s32 $0x0, s20;
	[sflag:s22] =	ssyncset.done $0x0  }
0xa1: {  	[sflag:s22] =	ssyncadd.s32 s5;
	_ =	sdelay $0x1  }
0xa2: {  	s23 =	simm.s32 $0x1B8B  }
0xa3: {  	_ =	swait.ge [sflag:s23], $0x1  }
0xa4: {  	[sflag:s23] =	ssyncset.done $0x0  }
0xa5: {  	s25 =	simm.s32 $0x1B8E;
	s24 =	sld [smem:$0x3FFE];
	[sflag:s23] =	ssyncadd.s32 $0xFFFFFFFF  }
0xa6: {  	s26 =	simm.s32 $execute0_lowered;
	[smem:$0x3FD2] =	sst s25  }
0xa7: {  	s6 =	sshll.u32 s26, $0x1;
	_ =	strace $0x80000046;
	[dreg:$0x1] =	wrdreg $0xFFFFFFFF  }
0xa8: {  	s28 =	simm.s32 $_size_execute0_lowered;
	s4 =	sadd.s32 s4, s6;
	[dreg:$0x0] =	wrdreg $0x0  }
0xa9: {  	s6 =	sshll.u32 s28, $0x1;
	[dreg:$0x2] =	wrdreg s4  }
0xaa: {  	[dreg:$0x3] =	wrdreg s6  }
0xab: {  	[dreg:$0x4] =	wrdreg $0xC0  }
0xac: {  	_ =	task [dreg:s8], $0x5FFFF  }
0xad: {  	[dreg:$0x1] =	wrdreg $0xFFFFFFFF  }
0xae: {  	[dreg:$0x0] =	wrdreg $0x60  }
0xaf: {  	[dreg:$0x2] =	wrdreg s2  }
0xb0: {  	[dreg:$0x3] =	wrdreg s18  }
0xb1: {  	[dreg:$0x4] =	wrdreg s24  }
0xb2: {  	[dreg:$0x5] =	wrdreg $0x9  }
0xb3: {  	_ =	task.clear_ibuf [dreg:s8], $0x6FFFF;
	_ =	strace $0x90000046  }
0xb4: {  	s29 =	simm.s32 $0x9;
	_ =	strace $0x80000048  }
0xb5: {  	_ =	swait.ge [sflag:s29], $0x1  }
0xb6: {  	[sflag:s29] =	ssyncadd.s32 $0xFFFFFFFF  }
0xb7: {  	_ =	strace $0x90000048  }
0xb8: {  	_ =	sfence  }
0xb9: {  	s30 =	sld [smem:$0x0];
	_ =	sdelay $0x2  }
0xba: {  	s31 =	sshll.u32 s1, $0xD;
	s1 =	sshrl.u32 s1, $0x2  }
0xbb: {  	s3 =	sand.u32 $0x4000, s31;
	s1 =	sadd.s32 s1, s30  }
0xbc: {  	s0 =	sor.u32 s3, s0;
	s1 =	sshll.u32 s1, $0x11  }
0xbd: {  	s0 =	sor.u32 s1, s0  }
0xbe: {  	s0 =	sadd.s32 $0x8F2B, s0  }
0xbf: {  	[sflag:s0] =	ssyncadd.remote.s32 $0x1  }
0xc0: {  	_ =	sfence.sel $0xFFFF  }
0xc1: {  	[dreg:$0x0] =	wrdreg $0xFFFFFFFF;
	(pc) =	sbr.abs _section_cstart, $3  }
0xc2: {  	[dreg:$0x1] =	wrdreg $0xFFFFFFFF  }
0xc3: {  	_ =	task.clear_ibuf [dreg:s8], $0x2FFFF;
	_ =	strace $0x9FFFFFFF  }
0xc4: {  	(tm) =	ssettm $0x7FFFFFFF  }
0xc5: {  	_ =	shalt  }
tec
execute0_lowered:
.L_overlay_start_1:
0x0: {  	(tag) =	ssettag $0x1  }
0x1: {  	s1 =	rddreg [dreg:$0x0]  }
0x2: {  	s5 =	rddreg [dreg:$0x1]  }
0x3: {  	s6 =	rddreg [dreg:$0x2]  }
0x4: {  	s0 =	rddreg [dreg:$0x3]  }
0x5: {  	s4 =	srdreg.scid;
	s3 =	simm.s32 $0x0;
	s2 =	stileid.u32  }
0x6: {  	s12 =	simm.s32 $0x3;
	s13 =	simm.s32 $0x400;
	s14 =	simm.s32 $0x20000  }
0x7: {  	s15 =	simm.s32 $0xFC00;
	s16 =	simm.s32 $0x1;
	s17 =	simm.s32 $0x2  }
0x8: {  	s18 =	simm.s32 $0x1F500;
	s19 =	simm.s32 $0x1F600;
	s20 =	simm.s32 $0x1F700  }
0x9: {  	s21 =	simm.s32 $0x0;
	s4 =	sand.u32 $0x1, s4;
	[smem:$0x7FF] =	sst s3  }
0xa: {  	s8 =	sshll.u32 s2, $0x8;
	s7 =	sshll.u32 s4, $0xC;
	s9 =	ssub.s32 $0x2, s4  }
0xb: {  	vm0 =	vmmov $0x1;
	vm1 =	vmmov $0x3;
	vm2 =	vmmov $0x7;
	_ =	strace $0x80000047;
	s7 =	sor.u32 s8, s7;
	s31 =	sshrl.u32 s9, $0x1  }
0xc: {  	vm3 =	vmmov $0xf;
	vm4 =	vmmov $0x1f;
	vm5 =	vmmov $0x3f;
	s8 =	sshrl.u32 s7, $0x3;
	s4 =	sor.u32 $0x2000, s7;
	s11 =	ssub.s32 s9, s31  }
0xd: {  	vm6 =	vmmov $0x7f;
	vm7 =	vmmov $0xff;
	vm8 =	vmmov $0x1ff;
	s10 =	sadd.s32 s8, s6;
	s7 =	sshrl.u32 s4, $0x3;
	s6 =	sadd.s32 $0xFC000, s1  }
0xe: {  	vm9 =	vmmov $0x3ff;
	vm10 =	vmmov $0x7ff;
	vm11 =	vmmov $0xfff;
	s5 =	sadd.s32 s5, s7;
	s7 =	sadd.s32 $0x1000, s10;
	s8 =	sadd.s32 $0x1400, s10  }
0xf: {  	vm12 =	vmmov $0x1fff;
	vm13 =	vmmov $0x3fff;
	vm14 =	vmmov $0x7fff;
	s9 =	sadd.s32 $0x1800, s10;
	s10 =	smax.u32 s11, $0x1;
	s11 =	simm.s32 $0x1F400  }
.LBB2_1:
0x10: {  	[tilespmem:s11], [sflag:$0x3] =	stream.linear.gather [hbm4b:s5+s3], $0x100, $0x38;
	[tilespmem:$0x1F800] =	vst v63  }
0x11: {  	_ =	swait.ge [sflag:s12], $0x100  }
0x12: {  	[sflag:s12] =	ssyncset.done $0x0  }
0x13: {  	p1 =	por $0x1, $0x1;
	s22 =	simm.s32 $0x0;
	[sflag:s12] =	ssyncadd.s32 $0xFFFFFF00  }
.LBB2_2:
0x14: {  	s24 =	sor.u32 s4, s22  }
0x15: {  	s23 =	simm.s32 $0x0;
	s25 =	sadd.s32 s1, s24  }
0x16: {  	[tilespmem:s23], [sflag:$0x1] =	stream.strided.gather [hbm4b:s25+s13], $0xFC00, s14, s13, $0x38;
	[tilespmem:$0x1F800] =	vst v63  }
0x17: {  	s24 =	sadd.s32 s24, s6  }
0x18: {  	[tilespmem:s15], [sflag:$0x2] =	stream.strided.gather [hbm4b:s24+s13], $0xF800, s14, s13, $0x38;
	[tilespmem:$0x1F800] =	vst v63  }
0x19: {  	_ =	swait.ge [sflag:s16], $0xFC00  }
0x1a: {  	[sflag:s16] =	ssyncset.done $0x0  }
0x1b: {  	p0 =	por p1, p1;
	s24 =	simm.s32 $0x200;
	[sflag:s16] =	ssyncadd.s32 $0xFFFF0400  }
.LBB2_3:
0x1c: {  	v4 =	vmov s24;
	_ =	sdelay $0x3  }
0x1d: {  	s25 =	simm.s32 $0x0  }
0x1e: {  	v7 =	vld.idx.msk [tilespmem:v4+s25+$0x100 ss:$0x1], $0xffff  }
0x1f: {  	v2 =	vld.idx.msk [tilespmem:v4+s25+$0x180 ss:$0x1], $0xffff  }
0x20: {  	v12 =	vld.idx.msk [tilespmem:v4+s25+$0x80 ss:$0x1], $0xffff  }
0x21: {  	v3 =	vld.idx.msk [tilespmem:v4+s25+$0xFFFFFF00 ss:$0x1], $0xffff  }
0x22: {  	v8 =	vld.idx.msk [tilespmem:v4+s25+$0xFFFFFE80 ss:$0x1], $0xffff  }
0x23: {  	v11 =	vld.idx.msk [tilespmem:v4+s25+$0xFFFFFF80 ss:$0x1], $0xffff;
	v0 =	vmul.f32 $1.442695020e+00, v7  }
0x24: {  	v13 =	vld.idx.msk [tilespmem:v4+s25+$0xFFFFFE00 ss:$0x1], $0xffff;
	v5 =	vmul.f32 $1.442695020e+00, v2  }
0x25: {  	s28 =	simm.s32 $0x400;
	v14 =	vld.idx.msk [tilespmem:v4+s25+$0x0 ss:$0x1], $0xffff;
	v6 =	vmul.f32 $1.442695020e+00, v12;
	(erf) = vpow2.f32 v0  }
0x26: {  	v9 =	vmul.f32 $1.442695020e+00, v3;
	v0 =	vld.idx.msk [tilespmem:v4+s28+$0x80 ss:$0x1], $0xffff;
	(erf) = vpow2.f32 v5  }
0x27: {  	v1 =	vld.idx.msk [tilespmem:v4+s28+$0x0 ss:$0x1], $0xffff;
	v10 =	vmul.f32 $1.442695020e+00, v8;
	(erf) = vpow2.f32 v6  }
0x28: {  	v15 =	vmul.f32 $1.442695020e+00, v11;
	v5 =	vimm.f32 $0.0e+00;
	v6 =	vld.idx.msk [tilespmem:v4+s28+$0x100 ss:$0x1], $0xffff;
	(erf) = vpow2.f32 v9  }
0x29: {  	v16 =	vmul.f32 $1.442695020e+00, v13;
	v9 =	vadd.f32 v3, v5;
	(erf) = vpow2.f32 v10  }
0x2a: {  	v17 =	vmul.f32 $1.442695020e+00, v14;
	v3 =	vld.idx.msk [tilespmem:v4+s28+$0x180 ss:$0x1], $0xffff;
	(erf) = vpow2.f32 v15  }
0x2b: {  	v15 =	vadd.f32 v8, v5;
	v9 =	vadd.f32 v7, v9;
	v19 =	vmul.f32 $1.442695020e+00, v0  }
0x2c: {  	v10 =	vld.idx.msk [tilespmem:v4+s28+$0xFFFFFE00 ss:$0x1], $0xffff;
	v7 =	vadd.f32 v13, v5;
	v8 =	vmul.f32 $1.442695020e+00, v1;
	(erf) = vpow2.f32 v16  }
0x2d: {  	v21 =	vadd.f32 v11, v5;
	v13 =	vld.idx.msk [tilespmem:v4+s28+$0xFFFFFE80 ss:$0x1], $0xffff;
	(erf) = vpow2.f32 v17;
	v23 =	vmul.f32 $1.442695020e+00, v6  }
0x2e: {  	v18 =	vld.idx.msk [tilespmem:v4+s28+$0xFFFFFF00 ss:$0x1], $0xffff;
	v11 =	vadd.f32 v14, v7;
	v20 =	vadd.f32 v12, v15;
	v15 =	vimm.f32 $0.0e+00;
	v16 =	vpop (erf)  }
0x2f: {  	s26 =	simm.s32 $0x2000;
	s25 =	sshll.u32 s23, $0x4;
	v7 =	vld.idx.msk [tilespmem:v4+s28+$0xFFFFFF80 ss:$0x1], $0xffff;
	v17 =	vimm.f32 $0.0e+00;
	v14 =	vimm.f32 $0.0e+00;
	v22 =	vmul.f32 $1.442695020e+00, v3;
	v12 =	vpop (erf)  }
.LBB2_4:
0x30: {  	(erf) = vpow2.f32 v23;
	v21 =	vadd.f32 v2, v21;
	v23 =	vpop (erf)  }
0x31: {  	s28 =	sshra.s32 s26, $0x2;
	p1 =	sne.s32 s26, $0x3E000;
	s26 =	sadd.s32 $0x1000, s26;
	v24 =	vmovc v1;
	v25 =	vmovc v0;
	v26 =	vmov v6;
	v2 =	vmov v3;
	v27 =	vmov v10  }
0x32: {  	v1 =	vld.idx.msk [tilespmem:v4+s28+$0x0 ss:$0x1], $0xffff;
	v28 =	vmul.f32 $1.442695020e+00, v27;
	v20 =	vadd.f32 v13, v20;
	(erf) = vpow2.f32 v22  }
0x33: {  	v10 =	vmul.f32 $1.442695020e+00, v18;
	v9 =	vadd.f32 v18, v9;
	v0 =	vld.idx.msk [tilespmem:v4+s28+$0x80 ss:$0x1], $0xffff;
	(erf) = vpow2.f32 v19;
	v3 =	vpop (erf)  }
0x34: {  	v13 =	vmul.f32 $1.442695020e+00, v13;
	v18 =	vmul.f32 $1.442695020e+00, v7;
	v6 =	vld.idx.msk [tilespmem:v4+s28+$0x100 ss:$0x1], $0xffff;
	v5 =	vadd.f32 v3, v5;
	v19 =	vpop (erf)  }
0x35: {  	v9 =	vadd.f32 v26, v9;
	v3 =	vld.idx.msk [tilespmem:v4+s28+$0x180 ss:$0x1], $0xffff;
	(erf) = vpow2.f32 v10;
	v15 =	vadd.f32 v19, v15;
	v19 =	vpop (erf)  }
0x36: {  	v10 =	vld.idx.msk [tilespmem:v4+s28+$0xFFFFFE00 ss:$0x1], $0xffff;
	(erf) = vpow2.f32 v13;
	v17 =	vadd.f32 v19, v17;
	v5 =	vadd.f32 v16, v5;
	v16 =	vpop (erf)  }
.Ltmp0:
0x37: {  	v13 =	vld.idx.msk [tilespmem:v4+s28+$0xFFFFFE80 ss:$0x1], $0xffff;
	(erf) = vpow2.f32 v18;
	v14 =	vadd.f32 v16, v14;
	v15 =	vadd.f32 v23, v15;
	v16 =	vpop (erf);
	(pc) =	sbr.rel @p1 .LBB2_4-.Ltmp0, $4  }
0x38: {  	v11 =	vadd.f32 v27, v11;
	v18 =	vld.idx.msk [tilespmem:v4+s28+$0xFFFFFF00 ss:$0x1], $0xffff;
	(erf) = vpow2.f32 v28;
	v17 =	vadd.f32 v12, v17;
	v12 =	vmovc v7  }
0x39: {  	v19 =	vmul.f32 $1.442695020e+00, v0;
	v7 =	vld.idx.msk [tilespmem:v4+s28+$0xFFFFFF80 ss:$0x1], $0xffff;
	(erf) = vpow2.f32 v8;
	v14 =	vadd.f32 v16, v14  }
0x3a: {  	v8 =	vmul.f32 $1.442695020e+00, v1;
	v23 =	vmul.f32 $1.442695020e+00, v6;
	v21 =	vadd.f32 v12, v21;
	v16 =	vpop (erf)  }
0x3b: {  	v11 =	vadd.f32 v24, v11;
	v20 =	vadd.f32 v25, v20;
	v22 =	vmul.f32 $1.442695020e+00, v3;
	v12 =	vpop (erf)  }
0x3c: {  	(erf) = vpow2.f32 v23  }
0x3d: {  	(erf) = vpow2.f32 v22;
	v4 =	vmul.f32 $1.442695020e+00, v18  }
0x3e: {  	v39 =	vmul.f32 $1.442695020e+00, v13;
	(erf) = vpow2.f32 v19  }
0x3f: {  	v40 =	vpop (erf);
	v41 =	vmul.f32 $1.442695020e+00, v7;
	(erf) = vpow2.f32 v4  }
0x40: {  	v42 =	vmul.f32 $1.442695020e+00, v10;
	v24 =	vpop (erf);
	(erf) = vpow2.f32 v39  }
0x41: {  	v43 =	vpop (erf);
	(erf) = vpow2.f32 v41  }
0x42: {  	v2 =	vadd.f32 v2, v21;
	v44 =	vpop (erf);
	(erf) = vpow2.f32 v42  }
0x43: {  	v9 =	vadd.f32 v18, v9;
	v46 =	vadd.f32 v13, v20;
	v45 =	vpop (erf)  }
0x44: {  	v53 =	vadd.f32 v10, v11;
	v2 =	vadd.f32 v7, v2;
	v47 =	vpop (erf);
	(erf) = vpow2.f32 v8  }
0x45: {  	v5 =	vadd.f32 v24, v5;
	v6 =	vadd.f32 v6, v9;
	v48 =	vpop (erf)  }
0x46: {  	v1 =	vadd.f32 v1, v53;
	v0 =	vadd.f32 v0, v46;
	v51 =	vpop (erf)  }
0x47: {  	v49 =	vadd.f32 v43, v15;
	v2 =	vadd.f32 v3, v2;
	v52 =	vpop (erf)  }
0x48: {  	v50 =	vadd.f32 v44, v17;
	v4 =	vadd.f32 v45, v14;
	v54 =	vpop (erf)  }
0x49: {  	v5 =	vadd.f32 v16, v5;
	v9 =	vadd.f32 v40, v49;
	v55 =	vpop (erf)  }
0x4a: {  	v12 =	vadd.f32 v12, v50;
	v4 =	vadd.f32 v47, v4;
	v56 =	vpop (erf)  }
0x4b: {  	v5 =	vadd.f32 v54, v5;
	v9 =	vadd.f32 v55, v9;
	v57 =	vpop (erf)  }
0x4c: {  	v7 =	vadd.f32 v56, v12;
	v4 =	vadd.f32 v57, v4  }
0x4d: {  	v5 =	vadd.f32 v48, v5;
	v58 =	vadd.f32 v52, v9;
	v59 =	vpop (erf)  }
0x4e: {  	s23 =	sadd.s32 $0x1, s23;
	v7 =	vadd.f32 v51, v7;
	v4 =	vadd.f32 v59, v4  }
0x4f: {  	p1 =	sne.s32 s23, $0x8;
	v0 =	vadd.f32 v0, v1;
	v62 =	vadd.f32 v2, v6  }
.Ltmp1:
0x50: {  	v61 =	vadd.f32 v7, v5;
	v60 =	vadd.f32 v58, v4;
	(pc) =	sbr.rel @p1 .LBB2_3-.Ltmp1, $4  }
0x51: {  	v0 =	vadd.f32 v62, v0  }
0x52: {  	s25 =	sor.u32 s22, s25;
	v63 =	vadd.f32 v61, v60  }
0x53: {  	[tilespmem:s25+$0x1F600] =	vst v0  }
0x54: {  	s24 =	sadd.s32 $0x10, s24;
	[tilespmem:s25+$0x1F500] =	vst v63  }
0x55: {  	_ =	swait.ge [sflag:s17], $0xF800  }
0x56: {  	[sflag:s17] =	ssyncset.done $0x0  }
0x57: {  	s23 =	simm.s32 $0x0;
	s24 =	simm.s32 $0x0;
	[sflag:s17] =	ssyncadd.s32 $0xFFFF0800  }
.LBB2_7:
0x58: {  	v3 =	vmov s23;
	_ =	sdelay $0x3  }
0x59: {  	s25 =	simm.s32 $0x0  }
0x5a: {  	v5 =	vld.idx.msk [tilespmem:v3+s25+$0xFF00 ss:$0x1], $0xffff  }
0x5b: {  	v2 =	vld.idx.msk [tilespmem:v3+s25+$0xFF80 ss:$0x1], $0xffff  }
0x5c: {  	v7 =	vld.idx.msk [tilespmem:v3+s25+$0xFE80 ss:$0x1], $0xffff  }
0x5d: {  	v4 =	vld.idx.msk [tilespmem:v3+s25+$0xFD00 ss:$0x1], $0xffff  }
0x5e: {  	v9 =	vld.idx.msk [tilespmem:v3+s25+$0xFC80 ss:$0x1], $0xffff  }
0x5f: {  	v10 =	vld.idx.msk [tilespmem:v3+s25+$0xFD80 ss:$0x1], $0xffff;
	v0 =	vmul.f32 $1.442695020e+00, v5  }
0x60: {  	s28 =	simm.s32 $0x400;
	v12 =	vld.idx.msk [tilespmem:v3+s25+$0xFC00 ss:$0x1], $0xffff;
	v1 =	vmul.f32 $1.442695020e+00, v2  }
0x61: {  	v8 =	vld.idx.msk [tilespmem:v3+s28+$0xFF00 ss:$0x1], $0xffff;
	v6 =	vmul.f32 $1.442695020e+00, v7;
	(erf) = vpow2.f32 v0  }
0x62: {  	v14 =	vld.idx.msk [tilespmem:v3+s25+$0xFE00 ss:$0x1], $0xffff;
	(erf) = vpow2.f32 v1  }
0x63: {  	v11 =	vmul.f32 $1.442695020e+00, v4;
	(erf) = vpow2.f32 v6  }
0x64: {  	v17 =	vimm.f32 $0.0e+00;
	v13 =	vmul.f32 $1.442695020e+00, v9;
	v15 =	vmul.f32 $1.442695020e+00, v10;
	v0 =	vld.idx.msk [tilespmem:v3+s28+$0xFE00 ss:$0x1], $0xffff  }
0x65: {  	v16 =	vmul.f32 $1.442695020e+00, v12;
	v1 =	vld.idx.msk [tilespmem:v3+s28+$0xFE80 ss:$0x1], $0xffff;
	v6 =	vimm.f32 $0.0e+00;
	(erf) = vpow2.f32 v11  }
0x66: {  	v23 =	vmul.f32 $1.442695020e+00, v8;
	v11 =	vadd.f32 v4, v6;
	v4 =	vld.idx.msk [tilespmem:v3+s28+$0xFF80 ss:$0x1], $0xffff;
	(erf) = vpow2.f32 v13  }
0x67: {  	v12 =	vadd.f32 v12, v6;
	v13 =	vmul.f32 $1.442695020e+00, v14;
	(erf) = vpow2.f32 v15  }
0x68: {  	v21 =	vadd.f32 v10, v6;
	v15 =	vadd.f32 v9, v6;
	v9 =	vld.idx.msk [tilespmem:v3+s28+$0xFC00 ss:$0x1], $0xffff;
	(erf) = vpow2.f32 v16  }
0x69: {  	v11 =	vadd.f32 v5, v11;
	v5 =	vmul.f32 $1.442695020e+00, v0;
	(erf) = vpow2.f32 v13;
	v13 =	vld.idx.msk [tilespmem:v3+s28+$0xFC80 ss:$0x1], $0xffff  }
0x6a: {  	v18 =	vld.idx.msk [tilespmem:v3+s28+$0xFD00 ss:$0x1], $0xffff;
	v10 =	vadd.f32 v14, v12;
	v14 =	vimm.f32 $0.0e+00;
	v19 =	vmul.f32 $1.442695020e+00, v1;
	v16 =	vpop (erf)  }
0x6b: {  	s26 =	simm.s32 $0x2000;
	s25 =	sshll.u32 s24, $0x4;
	v20 =	vadd.f32 v7, v15;
	v7 =	vld.idx.msk [tilespmem:v3+s28+$0xFD80 ss:$0x1], $0xffff;
	v15 =	vimm.f32 $0.0e+00;
	v22 =	vmul.f32 $1.442695020e+00, v4;
	v12 =	vpop (erf)  }
.LBB2_8:
0x6c: {  	(erf) = vpow2.f32 v23;
	v21 =	vadd.f32 v2, v21;
	v23 =	vpop (erf)  }
0x6d: {  	s28 =	sshra.s32 s26, $0x2;
	p1 =	sne.s32 s26, $0x3D000;
	s26 =	sadd.s32 $0x1000, s26;
	v24 =	vmovc v0;
	v25 =	vmovc v1;
	v26 =	vmov v8;
	v2 =	vmov v4;
	v27 =	vmov v9  }
0x6e: {  	v0 =	vld.idx.msk [tilespmem:v3+s28+$0xFE00 ss:$0x1], $0xffff;
	v28 =	vmul.f32 $1.442695020e+00, v27;
	v20 =	vadd.f32 v13, v20;
	(erf) = vpow2.f32 v22  }
0x6f: {  	v9 =	vmul.f32 $1.442695020e+00, v18;
	v11 =	vadd.f32 v18, v11;
	v1 =	vld.idx.msk [tilespmem:v3+s28+$0xFE80 ss:$0x1], $0xffff;
	(erf) = vpow2.f32 v19;
	v4 =	vpop (erf)  }
0x70: {  	v13 =	vmul.f32 $1.442695020e+00, v13;
	v18 =	vmul.f32 $1.442695020e+00, v7;
	v8 =	vld.idx.msk [tilespmem:v3+s28+$0xFF00 ss:$0x1], $0xffff;
	v6 =	vadd.f32 v4, v6;
	v19 =	vpop (erf)  }
0x71: {  	v11 =	vadd.f32 v26, v11;
	v4 =	vld.idx.msk [tilespmem:v3+s28+$0xFF80 ss:$0x1], $0xffff;
	(erf) = vpow2.f32 v9;
	v15 =	vadd.f32 v19, v15;
	v19 =	vpop (erf)  }
0x72: {  	v9 =	vld.idx.msk [tilespmem:v3+s28+$0xFC00 ss:$0x1], $0xffff;
	(erf) = vpow2.f32 v13;
	v17 =	vadd.f32 v19, v17;
	v6 =	vadd.f32 v16, v6;
	v16 =	vpop (erf)  }
.Ltmp2:
0x73: {  	v13 =	vld.idx.msk [tilespmem:v3+s28+$0xFC80 ss:$0x1], $0xffff;
	(erf) = vpow2.f32 v18;
	v14 =	vadd.f32 v16, v14;
	v15 =	vadd.f32 v23, v15;
	v16 =	vpop (erf);
	(pc) =	sbr.rel @p1 .LBB2_8-.Ltmp2, $4  }
0x74: {  	v10 =	vadd.f32 v27, v10;
	v18 =	vld.idx.msk [tilespmem:v3+s28+$0xFD00 ss:$0x1], $0xffff;
	(erf) = vpow2.f32 v28;
	v17 =	vadd.f32 v12, v17;
	v12 =	vmovc v7  }
0x75: {  	v19 =	vmul.f32 $1.442695020e+00, v1;
	v7 =	vld.idx.msk [tilespmem:v3+s28+$0xFD80 ss:$0x1], $0xffff;
	(erf) = vpow2.f32 v5;
	v14 =	vadd.f32 v16, v14  }
0x76: {  	v5 =	vmul.f32 $1.442695020e+00, v0;
	v23 =	vmul.f32 $1.442695020e+00, v8;
	v21 =	vadd.f32 v12, v21;
	v16 =	vpop (erf)  }
0x77: {  	v10 =	vadd.f32 v24, v10;
	v20 =	vadd.f32 v25, v20;
	v22 =	vmul.f32 $1.442695020e+00, v4;
	v12 =	vpop (erf)  }
0x78: {  	(erf) = vpow2.f32 v23  }
0x79: {  	v24 =	vmul.f32 $1.442695020e+00, v13;
	v28 =	vmul.f32 $1.442695020e+00, v9;
	v2 =	vadd.f32 v2, v21  }
0x7a: {  	s26 =	sor.u32 s22, s25;
	(erf) = vpow2.f32 v22;
	v3 =	vmul.f32 $1.442695020e+00, v18;
	v11 =	vadd.f32 v18, v11  }
0x7b: {  	v25 =	vpop (erf);
	v31 =	vadd.f32 v13, v20;
	v34 =	vld [tilespmem:s26+$0x1F400];
	v38 =	vadd.f32 v9, v10;
	(erf) = vpow2.f32 v19  }
0x7c: {  	v26 =	vmul.f32 $1.442695020e+00, v7;
	v27 =	vpop (erf);
	v2 =	vadd.f32 v7, v2;
	(erf) = vpow2.f32 v3  }
0x7d: {  	v3 =	vadd.f32 v27, v6;
	v32 =	vadd.f32 v8, v11;
	(erf) = vpow2.f32 v24  }
0x7e: {  	v29 =	vpop (erf);
	v0 =	vadd.f32 v0, v38;
	v1 =	vadd.f32 v1, v31;
	(erf) = vpow2.f32 v26  }
0x7f: {  	v30 =	vpop (erf);
	v15 =	vadd.f32 v29, v15;
	v2 =	vadd.f32 v4, v2  }
0x80: {  	v33 =	vpop (erf);
	v17 =	vadd.f32 v30, v17;
	(erf) = vpow2.f32 v28;
	v11 =	vshll.u32 v34, $0x9  }
0x81: {  	v3 =	vadd.f32 v16, v3;
	v0 =	vadd.f32 v1, v0;
	v35 =	vpop (erf);
	v11 =	vshra.s32 v11, $0x2  }
0x82: {  	v8 =	vadd.f32 v33, v14;
	(erf) = vpow2.f32 v5;
	v11 =	vadd.s32 s25, v11;
	v36 =	vpop (erf)  }
0x83: {  	v37 =	vadd.f32 v25, v15;
	(v2sf) =	vpush v11, $0x0;
	v39 =	vpop (erf)  }
0x84: {  	v12 =	vadd.f32 v12, v17;
	(v2sf) =	vpush v11, $0x1;
	v40 =	vpop (erf)  }
0x85: {  	v8 =	vadd.f32 v35, v8;
	(v2sf) =	vpush v11, $0x2;
	v41 =	vpop (erf)  }
0x86: {  	(v2sf) =	vpush v11, $0x3;
	v42 =	vpop (erf);
	v3 =	vadd.f32 v41, v3  }
0x87: {  	(v2sf) =	vpush v11, $0x4;
	v4 =	vadd.f32 v42, v37;
	v43 =	vpop (erf)  }
0x88: {  	(v2sf) =	vpush v11, $0x5;
	v9 =	vadd.f32 v43, v12  }
0x89: {  	v3 =	vadd.f32 v36, v3;
	v44 =	vpop (erf);
	(v2sf) =	vpush v11, $0x6  }
0x8a: {  	v5 =	vadd.f32 v44, v8;
	v4 =	vadd.f32 v40, v4  }
0x8b: {  	v45 =	vpop (erf);
	(v2sf) =	vpush v11, $0x7;
	v46 =	vadd.f32 v39, v9  }
0x8c: {  	v48 =	vld [tilespmem:s26+$0x1F600];
	(v2sf) =	vpush v11, $0x8;
	v5 =	vadd.f32 v45, v5  }
0x8d: {  	v47 =	vld [tilespmem:s26+$0x1F500];
	v2 =	vadd.f32 v2, v32;
	(v2sf) =	vpush v11, $0x9  }
0x8e: {  	v3 =	vadd.f32 v46, v3;
	v4 =	vadd.f32 v4, v5  }
0x8f: {  	v0 =	vadd.f32 v2, v0;
	(v2sf) =	vpush v11, $0xA  }
0x90: {  	(v2sf) =	vpush v11, $0xB;
	v3 =	vadd.f32 v3, v4  }
0x91: {  	v0 =	vadd.f32 v48, v0;
	(v2sf) =	vpush v11, $0xC  }
0x92: {  	(v2sf) =	vpush v11, $0xD;
	v49 =	vadd.f32 v47, v3  }
0x93: {  	[tilespmem:s26+$0x1F600] =	vst v0;
	(v2sf) =	vpush v11, $0xE  }
0x94: {  	s28 =	spop (v2sf);
	(v2sf) =	vpush v11, $0xF;
	[tilespmem:s26+$0x1F500] =	vst v49  }
0x95: {  	s29 =	spop (v2sf);
	v0 =	vld [tilespmem:s28+$0x0]  }
0x96: {  	s30 =	spop (v2sf);
	v50 =	vld [tilespmem:s29+$0x0]  }
0x97: {  	v2 =	vld [tilespmem:s30+$0x0];
	s31 =	spop (v2sf)  }
0x98: {  	v51 =	vld [tilespmem:s31+$0x0];
	s28 =	spop (v2sf)  }
0x99: {  	v52 =	vld [tilespmem:s28+$0x0];
	s29 =	spop (v2sf)  }
0x9a: {  	v53 =	vld [tilespmem:s29+$0x0];
	s30 =	spop (v2sf)  }
0x9b: {  	v54 =	vld [tilespmem:s30+$0x0];
	s31 =	spop (v2sf);
	v0 =	vsel vm0, v0, v50  }
0x9c: {  	v55 =	vld [tilespmem:s31+$0x0];
	s28 =	spop (v2sf);
	v0 =	vsel vm1, v0, v2  }
0x9d: {  	v56 =	vld [tilespmem:s28+$0x0];
	s29 =	spop (v2sf);
	v0 =	vsel vm2, v0, v51  }
0x9e: {  	v57 =	vld [tilespmem:s29+$0x0];
	s30 =	spop (v2sf);
	v0 =	vsel vm3, v0, v52  }
0x9f: {  	v58 =	vld [tilespmem:s30+$0x0];
	s31 =	spop (v2sf);
	v0 =	vsel vm4, v0, v53  }
0xa0: {  	v59 =	vld [tilespmem:s31+$0x0];
	s28 =	spop (v2sf);
	v0 =	vsel vm5, v0, v54  }
0xa1: {  	v60 =	vld [tilespmem:s28+$0x0];
	s29 =	spop (v2sf);
	v0 =	vsel vm6, v0, v55  }
0xa2: {  	v61 =	vld [tilespmem:s29+$0x0];
	s30 =	spop (v2sf);
	v0 =	vsel vm7, v0, v56  }
0xa3: {  	v62 =	vld [tilespmem:s30+$0x0];
	s31 =	spop (v2sf);
	v0 =	vsel vm8, v0, v57  }
0xa4: {  	s24 =	sadd.s32 $0x1, s24;
	v63 =	vld [tilespmem:s31+$0x0];
	v0 =	vsel vm9, v0, v58  }
0xa5: {  	p1 =	sne.s32 s24, $0x8;
	v0 =	vsel vm10, v0, v59  }
.Ltmp3:
0xa6: {  	v0 =	vsel vm11, v0, v60;
	(pc) =	sbr.rel @p1 .LBB2_7-.Ltmp3, $4  }
0xa7: {  	v0 =	vsel vm12, v0, v61  }
0xa8: {  	v0 =	vsel vm13, v0, v62  }
0xa9: {  	v0 =	vsel vm14, v0, v63  }
0xaa: {  	s23 =	sadd.s32 $0x10, s23;
	[tilespmem:s26+$0x1F700] =	vst v0  }
.Ltmp4:
0xab: {  	(pc) =	sbr.rel @p0 .LBB2_2-.Ltmp4, $2  }
0xac: {  	_ =	sdelay $0x2  }
0xad: {  	s22 =	simm.s32 $0x80;
	p1 =	por $0x0, $0x0  }
0xae: {  	[hbm4b:s7+s3] =	stream.linear.scatter [tilespmem:s18], [sflag:$0x3], $0x100, $0x38;
	[tilespmem:$0x1F800] =	vst v63  }
0xaf: {  	_ =	swait.ge [sflag:s12], $0x100  }
0xb0: {  	[sflag:s12] =	ssyncset.done $0x0  }
0xb1: {  	[sflag:s12] =	ssyncadd.s32 $0xFFFFFF00  }
0xb2: {  	[hbm4b:s8+s3] =	stream.linear.scatter [tilespmem:s19], [sflag:$0x3], $0x100, $0x38;
	[tilespmem:$0x1F800] =	vst v63  }
0xb3: {  	s21 =	sadd.s32 $0x1, s21;
	_ =	swait.ge [sflag:s12], $0x100  }
0xb4: {  	p0 =	sne.s32 s21, s10;
	[sflag:s12] =	ssyncset.done $0x0  }
.Ltmp5:
0xb5: {  	[sflag:s12] =	ssyncadd.s32 $0xFFFFFF00;
	(pc) =	sbr.rel @p0 .LBB2_1-.Ltmp5, $4  }
0xb6: {  	[hbm4b:s9+s3] =	stream.linear.scatter [tilespmem:s20], [sflag:$0x3], $0x100, $0x38;
	[tilespmem:$0x1F800] =	vst v63  }
0xb7: {  	_ =	swait.ge [sflag:s12], $0x100  }
0xb8: {  	[sflag:s12] =	ssyncset.done $0x0  }
0xb9: {  	[sflag:s12] =	ssyncadd.s32 $0xFFFFFF00  }
0xba: {  	_ =	sfence.sel $0x180000  }
0xbb: {  	[bflag:$0x0] =	sbarrier.arrive $0xFFFF  }
0xbc: {  	p0 =	sne.s32 s2, $0x0;
	_ =	strace $0x90000047  }
0xbd: {  	s0 =	sadd.s32 @!p0 $0x100000, s0;
	[bflag:$0x2] =	sbarrier.arrive $0xFFFF  }
0xbe: {  	[sflag:s0] =	ssyncadd.tile.s32 @!p0 $0x1;
	_ =	shalt  }
.Lfunc_end2:
_tile_overlayer_lowered:
.L_overlay_start_2:
0xbf: {  	(tag) =	ssettag $0x2  }
0xc0: {  	s0 =	rddreg [dreg:$0x0];
	s2 =	stileid.u32  }
0xc1: {  	s1 =	rddreg [dreg:$0x1];
	p0 =	sne.s32 s2, $0x0  }
0xc2: {  	s3 =	rddreg [dreg:$0x2];
	[bflag:$0x3] =	sbarrier.arrive $0xFFFF;
	s2 =	simm.s32 @!p0 $0x1C03  }
0xc3: {  	[timem:s3], [sflag:s2] =	dma.local @!p0 [hbm:s0], s1  }
0xc4: {  	s0 =	simm.s32 @!p0 $0x3  }
0xc5: {  	_ =	swait.ge @!p0 [sflag:s0], s1  }
0xc6: {  	s1 =	ssub.s32 @!p0 $0x0, s1;
	[sflag:s0] =	ssyncset.done @!p0 $0x0  }
0xc7: {  	[sflag:s0] =	ssyncadd.s32 @!p0 s1  }
0xc8: {  	[bflag:$0x3] =	sbarrier.arrive $0xFFFF  }
0xc9: {  	_ =	shalt  }

</sc_bundles>
